<compile_context>
chip_gen: v7x
topology: tpu7x:2x2x1
jax: 0.10.2.dev20260603
libtpu: 0.0.44.dev20260713+nightly
codegen_flags: <defaults>
</compile_context>

<pallas_src>
import functools

import jax
import jax.numpy as jnp
from jax import lax
from jax.experimental import pallas as pl
from jax.experimental.pallas import tpu as pltpu
from jax.experimental.pallas import tpu_sc as plsc

NG = 512
GS = 32
WD = 768
NB = 4
NP = 8192

_f32 = jnp.float32
_i32 = jnp.int32


def _fps_body(pcr_ref, cx_ref, cy_ref, cz_ref):
    xs = pcr_ref[:, 0, :, :]
    ys = pcr_ref[:, 1, :, :]
    zs = pcr_ref[:, 2, :, :]
    flat = (lax.broadcasted_iota(_i32, (NB, 8, 1024), 1) * 1024
            + lax.broadcasted_iota(_i32, (NB, 8, 1024), 2))

    col = lax.broadcasted_iota(_i32, (NB, NG), 1)

    px0 = xs[:, 0, 0]
    py0 = ys[:, 0, 0]
    pz0 = zs[:, 0, 0]
    cxs = jnp.where(col == 0, px0[:, None], 0.0)
    cys = jnp.where(col == 0, py0[:, None], 0.0)
    czs = jnp.where(col == 0, pz0[:, None], 0.0)
    d0 = ((xs - px0[:, None, None]) ** 2 + (ys - py0[:, None, None]) ** 2
          + (zs - pz0[:, None, None]) ** 2)

    def step(k, carry):
        dists, cxs, cys, czs = carry
        m = jnp.max(dists, axis=(1, 2))
        ji = jnp.min(jnp.where(dists == m[:, None, None], flat, NP),
                     axis=(1, 2))
        sel = flat == ji[:, None, None]
        px = jnp.sum(jnp.where(sel, xs, 0.0), axis=(1, 2))
        py = jnp.sum(jnp.where(sel, ys, 0.0), axis=(1, 2))
        pz = jnp.sum(jnp.where(sel, zs, 0.0), axis=(1, 2))
        cxs = jnp.where(col == k, px[:, None], cxs)
        cys = jnp.where(col == k, py[:, None], cys)
        czs = jnp.where(col == k, pz[:, None], czs)
        nd = ((xs - px[:, None, None]) ** 2 + (ys - py[:, None, None]) ** 2
              + (zs - pz[:, None, None]) ** 2)
        return jnp.minimum(dists, nd), cxs, cys, czs

    _, cxs, cys, czs = lax.fori_loop(1, NG, step, (d0, cxs, cys, czs))
    cx_ref[...] = cxs
    cy_ref[...] = cys
    cz_ref[...] = czs


def _run_fps(pc):
    pcr = pc.transpose(0, 2, 1).reshape(NB, 3, 8, 1024)
    out = jax.ShapeDtypeStruct((NB, NG), _f32)
    cx, cy, cz = pl.pallas_call(
        _fps_body, out_shape=[out, out, out])(pcr)
    return cx, cy, cz


def _knn_body(cen_ref, pt_ref, idx_ref, d_ref):
    b = pl.program_id(0)
    cen = cen_ref[0]
    pt = pt_ref[0]
    cn = jnp.sum(cen * cen, axis=1)
    pn = jnp.sum(pt * pt, axis=0)[None, :]
    dm = jnp.dot(cen, pt, preferred_element_type=_f32)
    d_ref[...] = cn[:, None] + pn - 2.0 * dm
    col = lax.broadcasted_iota(_i32, (NG, NP), 1)
    colk = lax.broadcasted_iota(_i32, (NG, GS), 1)
    base = b * NP

    def step(k, idxs):
        d = d_ref[...]
        m = jnp.min(d, axis=1)
        ji = jnp.min(jnp.where(d == m[:, None], col, NP), axis=1)
        idxs = jnp.where(colk == k, (ji + base)[:, None], idxs)
        d_ref[...] = jnp.where(col == ji[:, None], jnp.inf, d)
        return idxs

    idx_ref[0] = lax.fori_loop(0, GS, step, jnp.zeros((NG, GS), _i32))


def _run_knn(cx, cy, cz, pc):
    cen = jnp.stack([cx, cy, cz], axis=-1)
    cen_p = jnp.pad(cen, ((0, 0), (0, 0), (0, 5)))
    pt_p = jnp.pad(pc.transpose(0, 2, 1), ((0, 0), (0, 5), (0, 0)))
    idx = pl.pallas_call(
        _knn_body,
        grid=(NB,),
        in_specs=[
            pl.BlockSpec((1, NG, 8), lambda b: (b, 0, 0)),
            pl.BlockSpec((1, 8, NP), lambda b: (b, 0, 0)),
        ],
        out_specs=pl.BlockSpec((1, NG, GS), lambda b: (b, 0, 0)),
        out_shape=jax.ShapeDtypeStruct((NB, NG, GS), _i32),
        scratch_shapes=[pltpu.VMEM((NG, NP), _f32)],
    )(cen_p, pt_p)
    return cen, idx


_NC, _NS = 2, 16
_NW = _NC * _NS
_RT = NB * NG * GS
_CH = 128
_NCH = _RT // (_NW * _CH)
_TD = 16


def _gather_body(tab_ref, idx_ref, out_ref, idx_v, rows_v, sem):
    w = lax.axis_index("s") * _NC + lax.axis_index("c")
    base = w * _NCH
    pltpu.sync_copy(idx_ref.at[pl.ds(base, _NCH)], idx_v)
    copies = []
    for c in range(_NCH):
        copies.append(pltpu.async_copy(
            tab_ref.at[idx_v.at[c]], rows_v.at[c], sem))
    for c in range(_NCH):
        copies[c].wait()
    pltpu.sync_copy(rows_v, out_ref.at[pl.ds(base, _NCH)])


def _run_gather(pc, idx):
    tab = jnp.pad(pc.reshape(NB * NP, 3), ((0, 0), (0, _TD - 3)))
    idx_r = idx.reshape(_RT // _CH, _CH)
    mesh = plsc.VectorSubcoreMesh(core_axis_name="c", subcore_axis_name="s",
                                  num_cores=_NC, num_subcores=_NS)
    k = pl.kernel(
        _gather_body,
        out_type=jax.ShapeDtypeStruct((_RT // _CH, _CH, _TD), _f32),
        mesh=mesh,
        scratch_types=[
            pltpu.VMEM((_NCH, _CH), _i32),
            pltpu.VMEM((_NCH, _CH, _TD), _f32),
            pltpu.SemaphoreType.DMA,
        ],
        compiler_params=pltpu.CompilerParams(use_tc_tiling_on_sc=False),
    )
    nbr = k(tab, idx_r)
    return nbr.reshape(_RT, _TD)


_GB = 16
_RB = _GB * GS


def _mlp_body(nbr_ref, cen_ref, wp_ref, wc_ref, b1_ref, w2_ref, b2_ref,
              w3a_ref, w3b_ref, b3_ref, w4_ref, b4_ref, out_ref):
    nbr = nbr_ref[...]
    cg = jnp.dot(cen_ref[...], wc_ref[...],
                 preferred_element_type=_f32)
    h1 = jnp.dot(nbr, wp_ref[...], preferred_element_type=_f32)
    h1 = h1.reshape(_GB, GS, 128) + cg[:, None, :] + b1_ref[...][None]
    h1 = jnp.maximum(h1, 0.0).reshape(_RB, 128)
    h2 = jnp.dot(h1, w2_ref[...], preferred_element_type=_f32) + b2_ref[...]
    h2g = h2.reshape(_GB, GS, 256)
    gmax = jnp.max(h2g, axis=1)
    g3 = jnp.dot(gmax, w3a_ref[...], preferred_element_type=_f32)
    h3 = jnp.dot(h2, w3b_ref[...], preferred_element_type=_f32)
    h3 = h3.reshape(_GB, GS, 512) + g3[:, None, :] + b3_ref[...][None]
    h3 = jnp.maximum(h3, 0.0).reshape(_RB, 512)
    h4 = jnp.dot(h3, w4_ref[...], preferred_element_type=_f32) + b4_ref[...]
    out_ref[...] = jnp.max(h4.reshape(_GB, GS, WD), axis=1)


def _run_mlp(nbr, cen, te_w1, te_b1, te_w2, te_b2, te_w3, te_b3, te_w4, te_b4):
    bg = NB * NG
    wp = jnp.pad(te_w1[:3] + te_w1[3:], ((0, _TD - 3), (0, 0)))
    wc = jnp.pad(-te_w1[3:], ((0, 1), (0, 0)))
    cen_p = jnp.pad(cen.reshape(bg, 3), ((0, 0), (0, 1)))
    w3a, w3b = te_w3[:256], te_w3[256:]
    full = lambda *s: pl.BlockSpec(s, lambda i: (0,) * len(s))
    tokens = pl.pallas_call(
        _mlp_body,
        grid=(bg // _GB,),
        in_specs=[
            pl.BlockSpec((_RB, _TD), lambda i: (i, 0)),
            pl.BlockSpec((_GB, 4), lambda i: (i, 0)),
            full(_TD, 128), full(4, 128), full(1, 128),
            full(128, 256), full(1, 256),
            full(256, 512), full(256, 512), full(1, 512),
            full(512, WD), full(1, WD),
        ],
        out_specs=pl.BlockSpec((_GB, WD), lambda i: (i, 0)),
        out_shape=jax.ShapeDtypeStruct((bg, WD), _f32),
    )(nbr, cen_p, wp, wc, te_b1[None], te_w2, te_b2[None],
      w3a, w3b, te_b3[None], te_w4, te_b4[None])
    return tokens


def _pos_body(c_ref, tok_ref, cls_ref, typ_ref, w1_ref, b1_ref, w2_ref,
              b2_ref, out_ref):
    c = c_ref[0]
    h = jnp.dot(c, w1_ref[...], preferred_element_type=_f32) + b1_ref[...]
    h = h * 0.5 * (1.0 + lax.erf(h * (2.0 ** -0.5)))
    pos = jnp.dot(h, w2_ref[...], preferred_element_type=_f32) + b2_ref[...]
    typ = typ_ref[...]
    out_ref[0, 0:1, :] = cls_ref[...] + pos[0:1] + typ
    out_ref[0, 1:, :] = tok_ref[0] + pos[1:] + typ


def _run_pos(cen, tokens, class_embedding, type_embedding,
             pos_w1, pos_b1, pos_w2, pos_b2):
    c513 = jnp.pad(cen, ((0, 0), (1, 0), (0, 1)))
    w1p = jnp.pad(pos_w1, ((0, 1), (0, 0)))
    tok = tokens.reshape(NB, NG, WD)
    full = lambda *s: pl.BlockSpec(s, lambda b: (0,) * len(s))
    out = pl.pallas_call(
        _pos_body,
        grid=(NB,),
        in_specs=[
            pl.BlockSpec((1, NG + 1, 4), lambda b: (b, 0, 0)),
            pl.BlockSpec((1, NG, WD), lambda b: (b, 0, 0)),
            full(1, WD), full(1, WD), full(4, WD), full(1, WD),
            full(WD, WD), full(1, WD),
        ],
        out_specs=pl.BlockSpec((1, NG + 1, WD), lambda b: (b, 0, 0)),
        out_shape=jax.ShapeDtypeStruct((NB, NG + 1, WD), _f32),
    )(c513, tok, class_embedding[None], type_embedding[None],
      w1p, pos_b1[None], pos_w2, pos_b2[None])
    return out


def kernel(pc, class_embedding, type_embedding, pos_w1, pos_b1, pos_w2,
           pos_b2, te_w1, te_b1, te_w2, te_b2, te_w3, te_b3, te_w4, te_b4):
    cx, cy, cz = _run_fps(pc)
    cen, idx = _run_knn(cx, cy, cz, pc)
    nbr = _run_gather(pc, idx.reshape(-1))
    tokens = _run_mlp(nbr, cen, te_w1, te_b1, te_w2, te_b2, te_w3, te_b3,
                      te_w4, te_b4)
    return _run_pos(cen, tokens, class_embedding, type_embedding,
                    pos_w1, pos_b1, pos_w2, pos_b2)

# --- scband reference (transcript-rebuilt; emitter-appended) ---
"""Pipeline reference for scband-pcdpatch-embed-53034256171117 (READ-ONLY COPY).

The authoritative reference and input builder live on the scoring server;
editing this copy changes nothing except your own understanding.
"""

import jax, jax.numpy as jnp
import numpy as np

NUM_GROUP = 512
GROUP_SIZE = 32
WIDTH = 768
B = 4
N = 8192


def sample_farthest_points(pc, K):
    # deterministic FPS starting at point 0 (pytorch3d uses random/first start)
    def fps_single(points):
        d0 = jnp.sum((points - points[0]) ** 2, axis=-1)
        def step(dists, _):
            nxt = jnp.argmax(dists).astype(jnp.int32)
            d = jnp.sum((points - points[nxt]) ** 2, axis=-1)
            return jnp.minimum(dists, d), nxt
        _, sel_rest = jax.lax.scan(step, d0, None, length=K - 1)
        sel = jnp.concatenate([jnp.zeros((1,), jnp.int32), sel_rest])
        return points[sel]
    return jax.vmap(fps_single)(pc), None


def knn_points(p1, p2, K):
    # squared L2 distances: B x G x N
    d = (jnp.sum(p1 ** 2, -1)[:, :, None] + jnp.sum(p2 ** 2, -1)[:, None, :]
         - 2.0 * jnp.einsum('bgd,bnd->bgn', p1, p2))
    _, idx = jax.lax.top_k(-d, K)
    nn = jax.vmap(lambda pts, ii: pts[ii])(p2, idx)
    return None, idx, nn


def token_embed(x, w1, b1, w2, b2, w3, b3, w4, b4):
    # Point-BERT style group encoder; BN in eval mode == identity
    bs, g, n, c = x.shape
    x = x.reshape(bs * g, n, c)
    h = jax.nn.relu(x @ w1 + b1)
    h = h @ w2 + b2
    gmax = jnp.max(h, axis=1, keepdims=True)
    h = jnp.concatenate([jnp.broadcast_to(gmax, (bs * g, n, gmax.shape[-1])), h], axis=-1)
    h = jax.nn.relu(h @ w3 + b3)
    h = h @ w4 + b4
    out = jnp.max(h, axis=1)
    return out.reshape(bs, g, -1)


def setup_inputs(seed: int = 0):
    key = jax.random.key(seed)
    ks = jax.random.split(key, 16)
    scale = WIDTH ** (-0.5)
    def lin(k, fan_in, shape):
        return jax.random.normal(k, shape, jnp.float32) * (fan_in ** -0.5)
    return {
        "pc": jax.random.normal(ks[0], (B, N, 3), jnp.float32),
        "class_embedding": scale * jax.random.normal(ks[1], (WIDTH,), jnp.float32),
        "type_embedding": scale * jax.random.normal(ks[2], (WIDTH,), jnp.float32),
        "pos_w1": lin(ks[3], 3, (3, WIDTH)), "pos_b1": jnp.zeros((WIDTH,), jnp.float32),
        "pos_w2": lin(ks[4], WIDTH, (WIDTH, WIDTH)), "pos_b2": jnp.zeros((WIDTH,), jnp.float32),
        "te_w1": lin(ks[5], 6, (6, 128)), "te_b1": jnp.zeros((128,), jnp.float32),
        "te_w2": lin(ks[6], 128, (128, 256)), "te_b2": jnp.zeros((256,), jnp.float32),
        "te_w3": lin(ks[7], 512, (512, 512)), "te_b3": jnp.zeros((512,), jnp.float32),
        "te_w4": lin(ks[8], 512, (512, WIDTH)), "te_b4": jnp.zeros((WIDTH,), jnp.float32),
    }


def reference(pc, class_embedding, type_embedding, pos_w1, pos_b1, pos_w2, pos_b2,
              te_w1, te_b1, te_w2, te_b2, te_w3, te_b3, te_w4, te_b4):
    centers, _ = sample_farthest_points(pc, NUM_GROUP)
    _, _, neighbors = knn_points(centers, pc, GROUP_SIZE)
    x = jnp.concatenate([neighbors, neighbors - centers[:, :, None, :]], axis=3)
    x = token_embed(x, te_w1, te_b1, te_w2, te_b2, te_w3, te_b3, te_w4, te_b4)
    cls = class_embedding + jnp.zeros((x.shape[0], 1, x.shape[-1]), x.dtype)
    x = jnp.concatenate([cls, x], axis=1)
    centers = jnp.concatenate([jnp.zeros((centers.shape[0], 1, 3), centers.dtype), centers], axis=1)
    pos = jax.nn.gelu(centers @ pos_w1 + pos_b1, approximate=False) @ pos_w2 + pos_b2
    x = x + pos
    x = x + type_embedding
    return x

if __name__ == "__main__":
    import jax
    _d = setup_inputs()
    print(jax.jit(kernel)(*tuple(_d.values())))

</pallas_src>

<mosaic_0001>
#map = affine_map<(d0, d1) -> (0, 0)>
#map1 = affine_map<(d0, d1) -> (0, 0, 0)>
module attributes {stable_mosaic.version = 14 : i64} {
  func.func @_gather_body(%arg0: i32, %arg1: i32, %arg2: memref<32768x16xf32, #tpu.memory_space<hbm>>, %arg3: memref<512x128xi32, #tpu.memory_space<hbm>>, %arg4: memref<512x128x16xf32, #tpu.memory_space<hbm>>, %arg5: memref<16x128xi32, #tpu.memory_space<vmem>>, %arg6: memref<16x128x16xf32, #tpu.memory_space<vmem>>, %arg7: memref<!tpu.dma_semaphore, #tpu.memory_space<semaphore_mem>>) attributes {dimension_semantics = [#tpu.dimension_semantics<core_parallel>, #tpu.dimension_semantics<subcore_parallel>], iteration_bounds = array<i64: 2, 16>, scalar_prefetch = 0 : i64, scratch_operands = 3 : i64, tpu.core_type = #tpu.core_type<sc_vector_subcore>, window_params = [{transform_indices = #map}, {transform_indices = #map}, {transform_indices = #map1}]} {
    %mul3A = arith.constant 2 : i32
    %mul3A_0 = arith.muli %arg1, %mul3A : i32
    %add3A = arith.addi %mul3A_0, %arg0 : i32
    %mul3A_1 = arith.constant 16 : i32
    %mul3A_2 = arith.muli %add3A, %mul3A_1 : i32
    "tpu.region"() ({
      %run_scoped3A = tpu.sem_alloc : memref<!tpu.dma_semaphore, #tpu.memory_space<semaphore_mem>>
      %dma_start3A_385 = arith.constant 0 : i32
      %dma_start3A_386 = tpu.memref_slice %arg3[%mul3A_2, %dma_start3A_385] : memref<512x128xi32, #tpu.memory_space<hbm>> -> memref<16x128xi32, #tpu.memory_space<hbm>>
      %dma_start3A_387 = arith.constant 0 : i32
      %dma_start3A_388 = tpu.memref_slice %arg3[%mul3A_2, %dma_start3A_387] : memref<512x128xi32, #tpu.memory_space<hbm>> -> memref<16x128xi32, #tpu.memory_space<hbm>>
      tpu.enqueue_dma source(%dma_start3A_388 : memref<16x128xi32, #tpu.memory_space<hbm>>) target(%arg5 : memref<16x128xi32, #tpu.memory_space<vmem>>) target_semaphore(%run_scoped3A : memref<!tpu.dma_semaphore, #tpu.memory_space<semaphore_mem>>)
      %dma_wait3A_389 = arith.constant 0 : i32
      %dma_wait3A_390 = tpu.memref_slice %arg3[%mul3A_2, %dma_wait3A_389] : memref<512x128xi32, #tpu.memory_space<hbm>> -> memref<16x128xi32, #tpu.memory_space<hbm>>
      %dma_wait3A_391 = arith.constant 0 : i32
      %dma_wait3A_392 = tpu.memref_slice %arg3[%mul3A_2, %dma_wait3A_391] : memref<512x128xi32, #tpu.memory_space<hbm>> -> memref<16x128xi32, #tpu.memory_space<hbm>>
      tpu.wait_dma2 semaphore(%run_scoped3A : memref<!tpu.dma_semaphore, #tpu.memory_space<semaphore_mem>>) src(%dma_wait3A_392 : memref<16x128xi32, #tpu.memory_space<hbm>>) dst(%arg5 : memref<16x128xi32, #tpu.memory_space<vmem>>)
      tpu.yield
    }) : () -> ()
    %dma_start3A = arith.constant 0 : i32
    %dma_start3A_3 = arith.constant 0 : i32
    %dma_start3A_4 = arith.constant 0 : i32
    %dma_start3A_5 = arith.constant 0 : i32
    %dma_start3A_6 = tpu.memref_slice %arg6[%dma_start3A_3, %dma_start3A_4, %dma_start3A_5] : memref<16x128x16xf32, #tpu.memory_space<vmem>> -> memref<1x128x16xf32, #tpu.memory_space<vmem>>
    %dma_start3A_7 = tpu.memref_squeeze %dma_start3A_6 : memref<1x128x16xf32, #tpu.memory_space<vmem>> -> memref<128x16xf32, #tpu.memory_space<vmem>>
    %dma_start3A_8 = arith.constant 0 : i32
    %dma_start3A_9 = tpu.memref_slice %arg5[%dma_start3A, %dma_start3A_8] : memref<16x128xi32, #tpu.memory_space<vmem>> -> memref<1x128xi32, #tpu.memory_space<vmem>>
    %dma_start3A_10 = tpu.memref_squeeze %dma_start3A_9 : memref<1x128xi32, #tpu.memory_space<vmem>> -> memref<128xi32, #tpu.memory_space<vmem>>
    %dma_start3A_11 = arith.constant 0 : i32
    %dma_start3A_12 = arith.constant 0 : i32
    %dma_start3A_13 = tpu.memref_slice %arg2[%dma_start3A_11, %dma_start3A_12] : memref<32768x16xf32, #tpu.memory_space<hbm>> -> memref<32768x16xf32, #tpu.memory_space<hbm>>
    tpu.enqueue_indirect_dma source(%dma_start3A_13 : memref<32768x16xf32, #tpu.memory_space<hbm>>) target(%dma_start3A_7 : memref<128x16xf32, #tpu.memory_space<vmem>>) offsets(%dma_start3A_10 : memref<128xi32, #tpu.memory_space<vmem>>) semaphore(%arg7 : memref<!tpu.dma_semaphore, #tpu.memory_space<semaphore_mem>>)
    %dma_start3A_14 = arith.constant 1 : i32
    %dma_start3A_15 = arith.constant 1 : i32
    %dma_start3A_16 = arith.constant 0 : i32
    %dma_start3A_17 = arith.constant 0 : i32
    %dma_start3A_18 = tpu.memref_slice %arg6[%dma_start3A_15, %dma_start3A_16, %dma_start3A_17] : memref<16x128x16xf32, #tpu.memory_space<vmem>> -> memref<1x128x16xf32, #tpu.memory_space<vmem>>
    %dma_start3A_19 = tpu.memref_squeeze %dma_start3A_18 : memref<1x128x16xf32, #tpu.memory_space<vmem>> -> memref<128x16xf32, #tpu.memory_space<vmem>>
    %dma_start3A_20 = arith.constant 0 : i32
    %dma_start3A_21 = tpu.memref_slice %arg5[%dma_start3A_14, %dma_start3A_20] : memref<16x128xi32, #tpu.memory_space<vmem>> -> memref<1x128xi32, #tpu.memory_space<vmem>>
    %dma_start3A_22 = tpu.memref_squeeze %dma_start3A_21 : memref<1x128xi32, #tpu.memory_space<vmem>> -> memref<128xi32, #tpu.memory_space<vmem>>
    %dma_start3A_23 = arith.constant 0 : i32
    %dma_start3A_24 = arith.constant 0 : i32
    %dma_start3A_25 = tpu.memref_slice %arg2[%dma_start3A_23, %dma_start3A_24] : memref<32768x16xf32, #tpu.memory_space<hbm>> -> memref<32768x16xf32, #tpu.memory_space<hbm>>
    tpu.enqueue_indirect_dma source(%dma_start3A_25 : memref<32768x16xf32, #tpu.memory_space<hbm>>) target(%dma_start3A_19 : memref<128x16xf32, #tpu.memory_space<vmem>>) offsets(%dma_start3A_22 : memref<128xi32, #tpu.memory_space<vmem>>) semaphore(%arg7 : memref<!tpu.dma_semaphore, #tpu.memory_space<semaphore_mem>>)
    %dma_start3A_26 = arith.constant 2 : i32
    %dma_start3A_27 = arith.constant 2 : i32
    %dma_start3A_28 = arith.constant 0 : i32
    %dma_start3A_29 = arith.constant 0 : i32
    %dma_start3A_30 = tpu.memref_slice %arg6[%dma_start3A_27, %dma_start3A_28, %dma_start3A_29] : memref<16x128x16xf32, #tpu.memory_space<vmem>> -> memref<1x128x16xf32, #tpu.memory_space<vmem>>
    %dma_start3A_31 = tpu.memref_squeeze %dma_start3A_30 : memref<1x128x16xf32, #tpu.memory_space<vmem>> -> memref<128x16xf32, #tpu.memory_space<vmem>>
    %dma_start3A_32 = arith.constant 0 : i32
    %dma_start3A_33 = tpu.memref_slice %arg5[%dma_start3A_26, %dma_start3A_32] : memref<16x128xi32, #tpu.memory_space<vmem>> -> memref<1x128xi32, #tpu.memory_space<vmem>>
    %dma_start3A_34 = tpu.memref_squeeze %dma_start3A_33 : memref<1x128xi32, #tpu.memory_space<vmem>> -> memref<128xi32, #tpu.memory_space<vmem>>
    %dma_start3A_35 = arith.constant 0 : i32
    %dma_start3A_36 = arith.constant 0 : i32
    %dma_start3A_37 = tpu.memref_slice %arg2[%dma_start3A_35, %dma_start3A_36] : memref<32768x16xf32, #tpu.memory_space<hbm>> -> memref<32768x16xf32, #tpu.memory_space<hbm>>
    tpu.enqueue_indirect_dma source(%dma_start3A_37 : memref<32768x16xf32, #tpu.memory_space<hbm>>) target(%dma_start3A_31 : memref<128x16xf32, #tpu.memory_space<vmem>>) offsets(%dma_start3A_34 : memref<128xi32, #tpu.memory_space<vmem>>) semaphore(%arg7 : memref<!tpu.dma_semaphore, #tpu.memory_space<semaphore_mem>>)
    %dma_start3A_38 = arith.constant 3 : i32
    %dma_start3A_39 = arith.constant 3 : i32
    %dma_start3A_40 = arith.constant 0 : i32
    %dma_start3A_41 = arith.constant 0 : i32
    %dma_start3A_42 = tpu.memref_slice %arg6[%dma_start3A_39, %dma_start3A_40, %dma_start3A_41] : memref<16x128x16xf32, #tpu.memory_space<vmem>> -> memref<1x128x16xf32, #tpu.memory_space<vmem>>
    %dma_start3A_43 = tpu.memref_squeeze %dma_start3A_42 : memref<1x128x16xf32, #tpu.memory_space<vmem>> -> memref<128x16xf32, #tpu.memory_space<vmem>>
    %dma_start3A_44 = arith.constant 0 : i32
    %dma_start3A_45 = tpu.memref_slice %arg5[%dma_start3A_38, %dma_start3A_44] : memref<16x128xi32, #tpu.memory_space<vmem>> -> memref<1x128xi32, #tpu.memory_space<vmem>>
    %dma_start3A_46 = tpu.memref_squeeze %dma_start3A_45 : memref<1x128xi32, #tpu.memory_space<vmem>> -> memref<128xi32, #tpu.memory_space<vmem>>
    %dma_start3A_47 = arith.constant 0 : i32
    %dma_start3A_48 = arith.constant 0 : i32
    %dma_start3A_49 = tpu.memref_slice %arg2[%dma_start3A_47, %dma_start3A_48] : memref<32768x16xf32, #tpu.memory_space<hbm>> -> memref<32768x16xf32, #tpu.memory_space<hbm>>
    tpu.enqueue_indirect_dma source(%dma_start3A_49 : memref<32768x16xf32, #tpu.memory_space<hbm>>) target(%dma_start3A_43 : memref<128x16xf32, #tpu.memory_space<vmem>>) offsets(%dma_start3A_46 : memref<128xi32, #tpu.memory_space<vmem>>) semaphore(%arg7 : memref<!tpu.dma_semaphore, #tpu.memory_space<semaphore_mem>>)
    %dma_start3A_50 = arith.constant 4 : i32
    %dma_start3A_51 = arith.constant 4 : i32
    %dma_start3A_52 = arith.constant 0 : i32
    %dma_start3A_53 = arith.constant 0 : i32
    %dma_start3A_54 = tpu.memref_slice %arg6[%dma_start3A_51, %dma_start3A_52, %dma_start3A_53] : memref<16x128x16xf32, #tpu.memory_space<vmem>> -> memref<1x128x16xf32, #tpu.memory_space<vmem>>
    %dma_start3A_55 = tpu.memref_squeeze %dma_start3A_54 : memref<1x128x16xf32, #tpu.memory_space<vmem>> -> memref<128x16xf32, #tpu.memory_space<vmem>>
    %dma_start3A_56 = arith.constant 0 : i32
    %dma_start3A_57 = tpu.memref_slice %arg5[%dma_start3A_50, %dma_start3A_56] : memref<16x128xi32, #tpu.memory_space<vmem>> -> memref<1x128xi32, #tpu.memory_space<vmem>>
    %dma_start3A_58 = tpu.memref_squeeze %dma_start3A_57 : memref<1x128xi32, #tpu.memory_space<vmem>> -> memref<128xi32, #tpu.memory_space<vmem>>
    %dma_start3A_59 = arith.constant 0 : i32
    %dma_start3A_60 = arith.constant 0 : i32
    %dma_start3A_61 = tpu.memref_slice %arg2[%dma_start3A_59, %dma_start3A_60] : memref<32768x16xf32, #tpu.memory_space<hbm>> -> memref<32768x16xf32, #tpu.memory_space<hbm>>
    tpu.enqueue_indirect_dma source(%dma_start3A_61 : memref<32768x16xf32, #tpu.memory_space<hbm>>) target(%dma_start3A_55 : memref<128x16xf32, #tpu.memory_space<vmem>>) offsets(%dma_start3A_58 : memref<128xi32, #tpu.memory_space<vmem>>) semaphore(%arg7 : memref<!tpu.dma_semaphore, #tpu.memory_space<semaphore_mem>>)
    %dma_start3A_62 = arith.constant 5 : i32
    %dma_start3A_63 = arith.constant 5 : i32
    %dma_start3A_64 = arith.constant 0 : i32
    %dma_start3A_65 = arith.constant 0 : i32
    %dma_start3A_66 = tpu.memref_slice %arg6[%dma_start3A_63, %dma_start3A_64, %dma_start3A_65] : memref<16x128x16xf32, #tpu.memory_space<vmem>> -> memref<1x128x16xf32, #tpu.memory_space<vmem>>
    %dma_start3A_67 = tpu.memref_squeeze %dma_start3A_66 : memref<1x128x16xf32, #tpu.memory_space<vmem>> -> memref<128x16xf32, #tpu.memory_space<vmem>>
    %dma_start3A_68 = arith.constant 0 : i32
    %dma_start3A_69 = tpu.memref_slice %arg5[%dma_start3A_62, %dma_start3A_68] : memref<16x128xi32, #tpu.memory_space<vmem>> -> memref<1x128xi32, #tpu.memory_space<vmem>>
    %dma_start3A_70 = tpu.memref_squeeze %dma_start3A_69 : memref<1x128xi32, #tpu.memory_space<vmem>> -> memref<128xi32, #tpu.memory_space<vmem>>
    %dma_start3A_71 = arith.constant 0 : i32
    %dma_start3A_72 = arith.constant 0 : i32
    %dma_start3A_73 = tpu.memref_slice %arg2[%dma_start3A_71, %dma_start3A_72] : memref<32768x16xf32, #tpu.memory_space<hbm>> -> memref<32768x16xf32, #tpu.memory_space<hbm>>
    tpu.enqueue_indirect_dma source(%dma_start3A_73 : memref<32768x16xf32, #tpu.memory_space<hbm>>) target(%dma_start3A_67 : memref<128x16xf32, #tpu.memory_space<vmem>>) offsets(%dma_start3A_70 : memref<128xi32, #tpu.memory_space<vmem>>) semaphore(%arg7 : memref<!tpu.dma_semaphore, #tpu.memory_space<semaphore_mem>>)
    %dma_start3A_74 = arith.constant 6 : i32
    %dma_start3A_75 = arith.constant 6 : i32
    %dma_start3A_76 = arith.constant 0 : i32
    %dma_start3A_77 = arith.constant 0 : i32
    %dma_start3A_78 = tpu.memref_slice %arg6[%dma_start3A_75, %dma_start3A_76, %dma_start3A_77] : memref<16x128x16xf32, #tpu.memory_space<vmem>> -> memref<1x128x16xf32, #tpu.memory_space<vmem>>
    %dma_start3A_79 = tpu.memref_squeeze %dma_start3A_78 : memref<1x128x16xf32, #tpu.memory_space<vmem>> -> memref<128x16xf32, #tpu.memory_space<vmem>>
    %dma_start3A_80 = arith.constant 0 : i32
    %dma_start3A_81 = tpu.memref_slice %arg5[%dma_start3A_74, %dma_start3A_80] : memref<16x128xi32, #tpu.memory_space<vmem>> -> memref<1x128xi32, #tpu.memory_space<vmem>>
    %dma_start3A_82 = tpu.memref_squeeze %dma_start3A_81 : memref<1x128xi32, #tpu.memory_space<vmem>> -> memref<128xi32, #tpu.memory_space<vmem>>
    %dma_start3A_83 = arith.constant 0 : i32
    %dma_start3A_84 = arith.constant 0 : i32
    %dma_start3A_85 = tpu.memref_slice %arg2[%dma_start3A_83, %dma_start3A_84] : memref<32768x16xf32, #tpu.memory_space<hbm>> -> memref<32768x16xf32, #tpu.memory_space<hbm>>
    tpu.enqueue_indirect_dma source(%dma_start3A_85 : memref<32768x16xf32, #tpu.memory_space<hbm>>) target(%dma_start3A_79 : memref<128x16xf32, #tpu.memory_space<vmem>>) offsets(%dma_start3A_82 : memref<128xi32, #tpu.memory_space<vmem>>) semaphore(%arg7 : memref<!tpu.dma_semaphore, #tpu.memory_space<semaphore_mem>>)
    %dma_start3A_86 = arith.constant 7 : i32
    %dma_start3A_87 = arith.constant 7 : i32
    %dma_start3A_88 = arith.constant 0 : i32
    %dma_start3A_89 = arith.constant 0 : i32
    %dma_start3A_90 = tpu.memref_slice %arg6[%dma_start3A_87, %dma_start3A_88, %dma_start3A_89] : memref<16x128x16xf32, #tpu.memory_space<vmem>> -> memref<1x128x16xf32, #tpu.memory_space<vmem>>
    %dma_start3A_91 = tpu.memref_squeeze %dma_start3A_90 : memref<1x128x16xf32, #tpu.memory_space<vmem>> -> memref<128x16xf32, #tpu.memory_space<vmem>>
    %dma_start3A_92 = arith.constant 0 : i32
    %dma_start3A_93 = tpu.memref_slice %arg5[%dma_start3A_86, %dma_start3A_92] : memref<16x128xi32, #tpu.memory_space<vmem>> -> memref<1x128xi32, #tpu.memory_space<vmem>>
    %dma_start3A_94 = tpu.memref_squeeze %dma_start3A_93 : memref<1x128xi32, #tpu.memory_space<vmem>> -> memref<128xi32, #tpu.memory_space<vmem>>
    %dma_start3A_95 = arith.constant 0 : i32
    %dma_start3A_96 = arith.constant 0 : i32
    %dma_start3A_97 = tpu.memref_slice %arg2[%dma_start3A_95, %dma_start3A_96] : memref<32768x16xf32, #tpu.memory_space<hbm>> -> memref<32768x16xf32, #tpu.memory_space<hbm>>
    tpu.enqueue_indirect_dma source(%dma_start3A_97 : memref<32768x16xf32, #tpu.memory_space<hbm>>) target(%dma_start3A_91 : memref<128x16xf32, #tpu.memory_space<vmem>>) offsets(%dma_start3A_94 : memref<128xi32, #tpu.memory_space<vmem>>) semaphore(%arg7 : memref<!tpu.dma_semaphore, #tpu.memory_space<semaphore_mem>>)
    %dma_start3A_98 = arith.constant 8 : i32
    %dma_start3A_99 = arith.constant 8 : i32
    %dma_start3A_100 = arith.constant 0 : i32
    %dma_start3A_101 = arith.constant 0 : i32
    %dma_start3A_102 = tpu.memref_slice %arg6[%dma_start3A_99, %dma_start3A_100, %dma_start3A_101] : memref<16x128x16xf32, #tpu.memory_space<vmem>> -> memref<1x128x16xf32, #tpu.memory_space<vmem>>
    %dma_start3A_103 = tpu.memref_squeeze %dma_start3A_102 : memref<1x128x16xf32, #tpu.memory_space<vmem>> -> memref<128x16xf32, #tpu.memory_space<vmem>>
    %dma_start3A_104 = arith.constant 0 : i32
    %dma_start3A_105 = tpu.memref_slice %arg5[%dma_start3A_98, %dma_start3A_104] : memref<16x128xi32, #tpu.memory_space<vmem>> -> memref<1x128xi32, #tpu.memory_space<vmem>>
    %dma_start3A_106 = tpu.memref_squeeze %dma_start3A_105 : memref<1x128xi32, #tpu.memory_space<vmem>> -> memref<128xi32, #tpu.memory_space<vmem>>
    %dma_start3A_107 = arith.constant 0 : i32
    %dma_start3A_108 = arith.constant 0 : i32
    %dma_start3A_109 = tpu.memref_slice %arg2[%dma_start3A_107, %dma_start3A_108] : memref<32768x16xf32, #tpu.memory_space<hbm>> -> memref<32768x16xf32, #tpu.memory_space<hbm>>
    tpu.enqueue_indirect_dma source(%dma_start3A_109 : memref<32768x16xf32, #tpu.memory_space<hbm>>) target(%dma_start3A_103 : memref<128x16xf32, #tpu.memory_space<vmem>>) offsets(%dma_start3A_106 : memref<128xi32, #tpu.memory_space<vmem>>) semaphore(%arg7 : memref<!tpu.dma_semaphore, #tpu.memory_space<semaphore_mem>>)
    %dma_start3A_110 = arith.constant 9 : i32
    %dma_start3A_111 = arith.constant 9 : i32
    %dma_start3A_112 = arith.constant 0 : i32
    %dma_start3A_113 = arith.constant 0 : i32
    %dma_start3A_114 = tpu.memref_slice %arg6[%dma_start3A_111, %dma_start3A_112, %dma_start3A_113] : memref<16x128x16xf32, #tpu.memory_space<vmem>> -> memref<1x128x16xf32, #tpu.memory_space<vmem>>
    %dma_start3A_115 = tpu.memref_squeeze %dma_start3A_114 : memref<1x128x16xf32, #tpu.memory_space<vmem>> -> memref<128x16xf32, #tpu.memory_space<vmem>>
    %dma_start3A_116 = arith.constant 0 : i32
    %dma_start3A_117 = tpu.memref_slice %arg5[%dma_start3A_110, %dma_start3A_116] : memref<16x128xi32, #tpu.memory_space<vmem>> -> memref<1x128xi32, #tpu.memory_space<vmem>>
    %dma_start3A_118 = tpu.memref_squeeze %dma_start3A_117 : memref<1x128xi32, #tpu.memory_space<vmem>> -> memref<128xi32, #tpu.memory_space<vmem>>
    %dma_start3A_119 = arith.constant 0 : i32
    %dma_start3A_120 = arith.constant 0 : i32
    %dma_start3A_121 = tpu.memref_slice %arg2[%dma_start3A_119, %dma_start3A_120] : memref<32768x16xf32, #tpu.memory_space<hbm>> -> memref<32768x16xf32, #tpu.memory_space<hbm>>
    tpu.enqueue_indirect_dma source(%dma_start3A_121 : memref<32768x16xf32, #tpu.memory_space<hbm>>) target(%dma_start3A_115 : memref<128x16xf32, #tpu.memory_space<vmem>>) offsets(%dma_start3A_118 : memref<128xi32, #tpu.memory_space<vmem>>) semaphore(%arg7 : memref<!tpu.dma_semaphore, #tpu.memory_space<semaphore_mem>>)
    %dma_start3A_122 = arith.constant 10 : i32
    %dma_start3A_123 = arith.constant 10 : i32
    %dma_start3A_124 = arith.constant 0 : i32
    %dma_start3A_125 = arith.constant 0 : i32
    %dma_start3A_126 = tpu.memref_slice %arg6[%dma_start3A_123, %dma_start3A_124, %dma_start3A_125] : memref<16x128x16xf32, #tpu.memory_space<vmem>> -> memref<1x128x16xf32, #tpu.memory_space<vmem>>
    %dma_start3A_127 = tpu.memref_squeeze %dma_start3A_126 : memref<1x128x16xf32, #tpu.memory_space<vmem>> -> memref<128x16xf32, #tpu.memory_space<vmem>>
    %dma_start3A_128 = arith.constant 0 : i32
    %dma_start3A_129 = tpu.memref_slice %arg5[%dma_start3A_122, %dma_start3A_128] : memref<16x128xi32, #tpu.memory_space<vmem>> -> memref<1x128xi32, #tpu.memory_space<vmem>>
    %dma_start3A_130 = tpu.memref_squeeze %dma_start3A_129 : memref<1x128xi32, #tpu.memory_space<vmem>> -> memref<128xi32, #tpu.memory_space<vmem>>
    %dma_start3A_131 = arith.constant 0 : i32
    %dma_start3A_132 = arith.constant 0 : i32
    %dma_start3A_133 = tpu.memref_slice %arg2[%dma_start3A_131, %dma_start3A_132] : memref<32768x16xf32, #tpu.memory_space<hbm>> -> memref<32768x16xf32, #tpu.memory_space<hbm>>
    tpu.enqueue_indirect_dma source(%dma_start3A_133 : memref<32768x16xf32, #tpu.memory_space<hbm>>) target(%dma_start3A_127 : memref<128x16xf32, #tpu.memory_space<vmem>>) offsets(%dma_start3A_130 : memref<128xi32, #tpu.memory_space<vmem>>) semaphore(%arg7 : memref<!tpu.dma_semaphore, #tpu.memory_space<semaphore_mem>>)
    %dma_start3A_134 = arith.constant 11 : i32
    %dma_start3A_135 = arith.constant 11 : i32
    %dma_start3A_136 = arith.constant 0 : i32
    %dma_start3A_137 = arith.constant 0 : i32
    %dma_start3A_138 = tpu.memref_slice %arg6[%dma_start3A_135, %dma_start3A_136, %dma_start3A_137] : memref<16x128x16xf32, #tpu.memory_space<vmem>> -> memref<1x128x16xf32, #tpu.memory_space<vmem>>
    %dma_start3A_139 = tpu.memref_squeeze %dma_start3A_138 : memref<1x128x16xf32, #tpu.memory_space<vmem>> -> memref<128x16xf32, #tpu.memory_space<vmem>>
    %dma_start3A_140 = arith.constant 0 : i32
    %dma_start3A_141 = tpu.memref_slice %arg5[%dma_start3A_134, %dma_start3A_140] : memref<16x128xi32, #tpu.memory_space<vmem>> -> memref<1x128xi32, #tpu.memory_space<vmem>>
    %dma_start3A_142 = tpu.memref_squeeze %dma_start3A_141 : memref<1x128xi32, #tpu.memory_space<vmem>> -> memref<128xi32, #tpu.memory_space<vmem>>
    %dma_start3A_143 = arith.constant 0 : i32
    %dma_start3A_144 = arith.constant 0 : i32
    %dma_start3A_145 = tpu.memref_slice %arg2[%dma_start3A_143, %dma_start3A_144] : memref<32768x16xf32, #tpu.memory_space<hbm>> -> memref<32768x16xf32, #tpu.memory_space<hbm>>
    tpu.enqueue_indirect_dma source(%dma_start3A_145 : memref<32768x16xf32, #tpu.memory_space<hbm>>) target(%dma_start3A_139 : memref<128x16xf32, #tpu.memory_space<vmem>>) offsets(%dma_start3A_142 : memref<128xi32, #tpu.memory_space<vmem>>) semaphore(%arg7 : memref<!tpu.dma_semaphore, #tpu.memory_space<semaphore_mem>>)
    %dma_start3A_146 = arith.constant 12 : i32
    %dma_start3A_147 = arith.constant 12 : i32
    %dma_start3A_148 = arith.constant 0 : i32
    %dma_start3A_149 = arith.constant 0 : i32
    %dma_start3A_150 = tpu.memref_slice %arg6[%dma_start3A_147, %dma_start3A_148, %dma_start3A_149] : memref<16x128x16xf32, #tpu.memory_space<vmem>> -> memref<1x128x16xf32, #tpu.memory_space<vmem>>
    %dma_start3A_151 = tpu.memref_squeeze %dma_start3A_150 : memref<1x128x16xf32, #tpu.memory_space<vmem>> -> memref<128x16xf32, #tpu.memory_space<vmem>>
    %dma_start3A_152 = arith.constant 0 : i32
    %dma_start3A_153 = tpu.memref_slice %arg5[%dma_start3A_146, %dma_start3A_152] : memref<16x128xi32, #tpu.memory_space<vmem>> -> memref<1x128xi32, #tpu.memory_space<vmem>>
    %dma_start3A_154 = tpu.memref_squeeze %dma_start3A_153 : memref<1x128xi32, #tpu.memory_space<vmem>> -> memref<128xi32, #tpu.memory_space<vmem>>
    %dma_start3A_155 = arith.constant 0 : i32
    %dma_start3A_156 = arith.constant 0 : i32
    %dma_start3A_157 = tpu.memref_slice %arg2[%dma_start3A_155, %dma_start3A_156] : memref<32768x16xf32, #tpu.memory_space<hbm>> -> memref<32768x16xf32, #tpu.memory_space<hbm>>
    tpu.enqueue_indirect_dma source(%dma_start3A_157 : memref<32768x16xf32, #tpu.memory_space<hbm>>) target(%dma_start3A_151 : memref<128x16xf32, #tpu.memory_space<vmem>>) offsets(%dma_start3A_154 : memref<128xi32, #tpu.memory_space<vmem>>) semaphore(%arg7 : memref<!tpu.dma_semaphore, #tpu.memory_space<semaphore_mem>>)
    %dma_start3A_158 = arith.constant 13 : i32
    %dma_start3A_159 = arith.constant 13 : i32
    %dma_start3A_160 = arith.constant 0 : i32
    %dma_start3A_161 = arith.constant 0 : i32
    %dma_start3A_162 = tpu.memref_slice %arg6[%dma_start3A_159, %dma_start3A_160, %dma_start3A_161] : memref<16x128x16xf32, #tpu.memory_space<vmem>> -> memref<1x128x16xf32, #tpu.memory_space<vmem>>
    %dma_start3A_163 = tpu.memref_squeeze %dma_start3A_162 : memref<1x128x16xf32, #tpu.memory_space<vmem>> -> memref<128x16xf32, #tpu.memory_space<vmem>>
    %dma_start3A_164 = arith.constant 0 : i32
    %dma_start3A_165 = tpu.memref_slice %arg5[%dma_start3A_158, %dma_start3A_164] : memref<16x128xi32, #tpu.memory_space<vmem>> -> memref<1x128xi32, #tpu.memory_space<vmem>>
    %dma_start3A_166 = tpu.memref_squeeze %dma_start3A_165 : memref<1x128xi32, #tpu.memory_space<vmem>> -> memref<128xi32, #tpu.memory_space<vmem>>
    %dma_start3A_167 = arith.constant 0 : i32
    %dma_start3A_168 = arith.constant 0 : i32
    %dma_start3A_169 = tpu.memref_slice %arg2[%dma_start3A_167, %dma_start3A_168] : memref<32768x16xf32, #tpu.memory_space<hbm>> -> memref<32768x16xf32, #tpu.memory_space<hbm>>
    tpu.enqueue_indirect_dma source(%dma_start3A_169 : memref<32768x16xf32, #tpu.memory_space<hbm>>) target(%dma_start3A_163 : memref<128x16xf32, #tpu.memory_space<vmem>>) offsets(%dma_start3A_166 : memref<128xi32, #tpu.memory_space<vmem>>) semaphore(%arg7 : memref<!tpu.dma_semaphore, #tpu.memory_space<semaphore_mem>>)
    %dma_start3A_170 = arith.constant 14 : i32
    %dma_start3A_171 = arith.constant 14 : i32
    %dma_start3A_172 = arith.constant 0 : i32
    %dma_start3A_173 = arith.constant 0 : i32
    %dma_start3A_174 = tpu.memref_slice %arg6[%dma_start3A_171, %dma_start3A_172, %dma_start3A_173] : memref<16x128x16xf32, #tpu.memory_space<vmem>> -> memref<1x128x16xf32, #tpu.memory_space<vmem>>
    %dma_start3A_175 = tpu.memref_squeeze %dma_start3A_174 : memref<1x128x16xf32, #tpu.memory_space<vmem>> -> memref<128x16xf32, #tpu.memory_space<vmem>>
    %dma_start3A_176 = arith.constant 0 : i32
    %dma_start3A_177 = tpu.memref_slice %arg5[%dma_start3A_170, %dma_start3A_176] : memref<16x128xi32, #tpu.memory_space<vmem>> -> memref<1x128xi32, #tpu.memory_space<vmem>>
    %dma_start3A_178 = tpu.memref_squeeze %dma_start3A_177 : memref<1x128xi32, #tpu.memory_space<vmem>> -> memref<128xi32, #tpu.memory_space<vmem>>
    %dma_start3A_179 = arith.constant 0 : i32
    %dma_start3A_180 = arith.constant 0 : i32
    %dma_start3A_181 = tpu.memref_slice %arg2[%dma_start3A_179, %dma_start3A_180] : memref<32768x16xf32, #tpu.memory_space<hbm>> -> memref<32768x16xf32, #tpu.memory_space<hbm>>
    tpu.enqueue_indirect_dma source(%dma_start3A_181 : memref<32768x16xf32, #tpu.memory_space<hbm>>) target(%dma_start3A_175 : memref<128x16xf32, #tpu.memory_space<vmem>>) offsets(%dma_start3A_178 : memref<128xi32, #tpu.memory_space<vmem>>) semaphore(%arg7 : memref<!tpu.dma_semaphore, #tpu.memory_space<semaphore_mem>>)
    %dma_start3A_182 = arith.constant 15 : i32
    %dma_start3A_183 = arith.constant 15 : i32
    %dma_start3A_184 = arith.constant 0 : i32
    %dma_start3A_185 = arith.constant 0 : i32
    %dma_start3A_186 = tpu.memref_slice %arg6[%dma_start3A_183, %dma_start3A_184, %dma_start3A_185] : memref<16x128x16xf32, #tpu.memory_space<vmem>> -> memref<1x128x16xf32, #tpu.memory_space<vmem>>
    %dma_start3A_187 = tpu.memref_squeeze %dma_start3A_186 : memref<1x128x16xf32, #tpu.memory_space<vmem>> -> memref<128x16xf32, #tpu.memory_space<vmem>>
    %dma_start3A_188 = arith.constant 0 : i32
    %dma_start3A_189 = tpu.memref_slice %arg5[%dma_start3A_182, %dma_start3A_188] : memref<16x128xi32, #tpu.memory_space<vmem>> -> memref<1x128xi32, #tpu.memory_space<vmem>>
    %dma_start3A_190 = tpu.memref_squeeze %dma_start3A_189 : memref<1x128xi32, #tpu.memory_space<vmem>> -> memref<128xi32, #tpu.memory_space<vmem>>
    %dma_start3A_191 = arith.constant 0 : i32
    %dma_start3A_192 = arith.constant 0 : i32
    %dma_start3A_193 = tpu.memref_slice %arg2[%dma_start3A_191, %dma_start3A_192] : memref<32768x16xf32, #tpu.memory_space<hbm>> -> memref<32768x16xf32, #tpu.memory_space<hbm>>
    tpu.enqueue_indirect_dma source(%dma_start3A_193 : memref<32768x16xf32, #tpu.memory_space<hbm>>) target(%dma_start3A_187 : memref<128x16xf32, #tpu.memory_space<vmem>>) offsets(%dma_start3A_190 : memref<128xi32, #tpu.memory_space<vmem>>) semaphore(%arg7 : memref<!tpu.dma_semaphore, #tpu.memory_space<semaphore_mem>>)
    %dma_wait3A = arith.constant 0 : i32
    %dma_wait3A_194 = arith.constant 0 : i32
    %dma_wait3A_195 = arith.constant 0 : i32
    %dma_wait3A_196 = arith.constant 0 : i32
    %dma_wait3A_197 = tpu.memref_slice %arg6[%dma_wait3A_194, %dma_wait3A_195, %dma_wait3A_196] : memref<16x128x16xf32, #tpu.memory_space<vmem>> -> memref<1x128x16xf32, #tpu.memory_space<vmem>>
    %dma_wait3A_198 = tpu.memref_squeeze %dma_wait3A_197 : memref<1x128x16xf32, #tpu.memory_space<vmem>> -> memref<128x16xf32, #tpu.memory_space<vmem>>
    %dma_wait3A_199 = arith.constant 0 : i32
    %dma_wait3A_200 = tpu.memref_slice %arg5[%dma_wait3A, %dma_wait3A_199] : memref<16x128xi32, #tpu.memory_space<vmem>> -> memref<1x128xi32, #tpu.memory_space<vmem>>
    %dma_wait3A_201 = tpu.memref_squeeze %dma_wait3A_200 : memref<1x128xi32, #tpu.memory_space<vmem>> -> memref<128xi32, #tpu.memory_space<vmem>>
    %dma_wait3A_202 = arith.constant 0 : i32
    %dma_wait3A_203 = arith.constant 0 : i32
    %dma_wait3A_204 = tpu.memref_slice %arg2[%dma_wait3A_202, %dma_wait3A_203] : memref<32768x16xf32, #tpu.memory_space<hbm>> -> memref<32768x16xf32, #tpu.memory_space<hbm>>
    tpu.wait_indirect_dma semaphore(%arg7 : memref<!tpu.dma_semaphore, #tpu.memory_space<semaphore_mem>>) src(%dma_wait3A_204 : memref<32768x16xf32, #tpu.memory_space<hbm>>) dst(%dma_wait3A_198 : memref<128x16xf32, #tpu.memory_space<vmem>>)
    %dma_wait3A_205 = arith.constant 1 : i32
    %dma_wait3A_206 = arith.constant 1 : i32
    %dma_wait3A_207 = arith.constant 0 : i32
    %dma_wait3A_208 = arith.constant 0 : i32
    %dma_wait3A_209 = tpu.memref_slice %arg6[%dma_wait3A_206, %dma_wait3A_207, %dma_wait3A_208] : memref<16x128x16xf32, #tpu.memory_space<vmem>> -> memref<1x128x16xf32, #tpu.memory_space<vmem>>
    %dma_wait3A_210 = tpu.memref_squeeze %dma_wait3A_209 : memref<1x128x16xf32, #tpu.memory_space<vmem>> -> memref<128x16xf32, #tpu.memory_space<vmem>>
    %dma_wait3A_211 = arith.constant 0 : i32
    %dma_wait3A_212 = tpu.memref_slice %arg5[%dma_wait3A_205, %dma_wait3A_211] : memref<16x128xi32, #tpu.memory_space<vmem>> -> memref<1x128xi32, #tpu.memory_space<vmem>>
    %dma_wait3A_213 = tpu.memref_squeeze %dma_wait3A_212 : memref<1x128xi32, #tpu.memory_space<vmem>> -> memref<128xi32, #tpu.memory_space<vmem>>
    %dma_wait3A_214 = arith.constant 0 : i32
    %dma_wait3A_215 = arith.constant 0 : i32
    %dma_wait3A_216 = tpu.memref_slice %arg2[%dma_wait3A_214, %dma_wait3A_215] : memref<32768x16xf32, #tpu.memory_space<hbm>> -> memref<32768x16xf32, #tpu.memory_space<hbm>>
    tpu.wait_indirect_dma semaphore(%arg7 : memref<!tpu.dma_semaphore, #tpu.memory_space<semaphore_mem>>) src(%dma_wait3A_216 : memref<32768x16xf32, #tpu.memory_space<hbm>>) dst(%dma_wait3A_210 : memref<128x16xf32, #tpu.memory_space<vmem>>)
    %dma_wait3A_217 = arith.constant 2 : i32
    %dma_wait3A_218 = arith.constant 2 : i32
    %dma_wait3A_219 = arith.constant 0 : i32
    %dma_wait3A_220 = arith.constant 0 : i32
    %dma_wait3A_221 = tpu.memref_slice %arg6[%dma_wait3A_218, %dma_wait3A_219, %dma_wait3A_220] : memref<16x128x16xf32, #tpu.memory_space<vmem>> -> memref<1x128x16xf32, #tpu.memory_space<vmem>>
    %dma_wait3A_222 = tpu.memref_squeeze %dma_wait3A_221 : memref<1x128x16xf32, #tpu.memory_space<vmem>> -> memref<128x16xf32, #tpu.memory_space<vmem>>
    %dma_wait3A_223 = arith.constant 0 : i32
    %dma_wait3A_224 = tpu.memref_slice %arg5[%dma_wait3A_217, %dma_wait3A_223] : memref<16x128xi32, #tpu.memory_space<vmem>> -> memref<1x128xi32, #tpu.memory_space<vmem>>
    %dma_wait3A_225 = tpu.memref_squeeze %dma_wait3A_224 : memref<1x128xi32, #tpu.memory_space<vmem>> -> memref<128xi32, #tpu.memory_space<vmem>>
    %dma_wait3A_226 = arith.constant 0 : i32
    %dma_wait3A_227 = arith.constant 0 : i32
    %dma_wait3A_228 = tpu.memref_slice %arg2[%dma_wait3A_226, %dma_wait3A_227] : memref<32768x16xf32, #tpu.memory_space<hbm>> -> memref<32768x16xf32, #tpu.memory_space<hbm>>
    tpu.wait_indirect_dma semaphore(%arg7 : memref<!tpu.dma_semaphore, #tpu.memory_space<semaphore_mem>>) src(%dma_wait3A_228 : memref<32768x16xf32, #tpu.memory_space<hbm>>) dst(%dma_wait3A_222 : memref<128x16xf32, #tpu.memory_space<vmem>>)
    %dma_wait3A_229 = arith.constant 3 : i32
    %dma_wait3A_230 = arith.constant 3 : i32
    %dma_wait3A_231 = arith.constant 0 : i32
    %dma_wait3A_232 = arith.constant 0 : i32
    %dma_wait3A_233 = tpu.memref_slice %arg6[%dma_wait3A_230, %dma_wait3A_231, %dma_wait3A_232] : memref<16x128x16xf32, #tpu.memory_space<vmem>> -> memref<1x128x16xf32, #tpu.memory_space<vmem>>
    %dma_wait3A_234 = tpu.memref_squeeze %dma_wait3A_233 : memref<1x128x16xf32, #tpu.memory_space<vmem>> -> memref<128x16xf32, #tpu.memory_space<vmem>>
    %dma_wait3A_235 = arith.constant 0 : i32
    %dma_wait3A_236 = tpu.memref_slice %arg5[%dma_wait3A_229, %dma_wait3A_235] : memref<16x128xi32, #tpu.memory_space<vmem>> -> memref<1x128xi32, #tpu.memory_space<vmem>>
    %dma_wait3A_237 = tpu.memref_squeeze %dma_wait3A_236 : memref<1x128xi32, #tpu.memory_space<vmem>> -> memref<128xi32, #tpu.memory_space<vmem>>
    %dma_wait3A_238 = arith.constant 0 : i32
    %dma_wait3A_239 = arith.constant 0 : i32
    %dma_wait3A_240 = tpu.memref_slice %arg2[%dma_wait3A_238, %dma_wait3A_239] : memref<32768x16xf32, #tpu.memory_space<hbm>> -> memref<32768x16xf32, #tpu.memory_space<hbm>>
    tpu.wait_indirect_dma semaphore(%arg7 : memref<!tpu.dma_semaphore, #tpu.memory_space<semaphore_mem>>) src(%dma_wait3A_240 : memref<32768x16xf32, #tpu.memory_space<hbm>>) dst(%dma_wait3A_234 : memref<128x16xf32, #tpu.memory_space<vmem>>)
    %dma_wait3A_241 = arith.constant 4 : i32
    %dma_wait3A_242 = arith.constant 4 : i32
    %dma_wait3A_243 = arith.constant 0 : i32
    %dma_wait3A_244 = arith.constant 0 : i32
    %dma_wait3A_245 = tpu.memref_slice %arg6[%dma_wait3A_242, %dma_wait3A_243, %dma_wait3A_244] : memref<16x128x16xf32, #tpu.memory_space<vmem>> -> memref<1x128x16xf32, #tpu.memory_space<vmem>>
    %dma_wait3A_246 = tpu.memref_squeeze %dma_wait3A_245 : memref<1x128x16xf32, #tpu.memory_space<vmem>> -> memref<128x16xf32, #tpu.memory_space<vmem>>
    %dma_wait3A_247 = arith.constant 0 : i32
    %dma_wait3A_248 = tpu.memref_slice %arg5[%dma_wait3A_241, %dma_wait3A_247] : memref<16x128xi32, #tpu.memory_space<vmem>> -> memref<1x128xi32, #tpu.memory_space<vmem>>
    %dma_wait3A_249 = tpu.memref_squeeze %dma_wait3A_248 : memref<1x128xi32, #tpu.memory_space<vmem>> -> memref<128xi32, #tpu.memory_space<vmem>>
    %dma_wait3A_250 = arith.constant 0 : i32
    %dma_wait3A_251 = arith.constant 0 : i32
    %dma_wait3A_252 = tpu.memref_slice %arg2[%dma_wait3A_250, %dma_wait3A_251] : memref<32768x16xf32, #tpu.memory_space<hbm>> -> memref<32768x16xf32, #tpu.memory_space<hbm>>
    tpu.wait_indirect_dma semaphore(%arg7 : memref<!tpu.dma_semaphore, #tpu.memory_space<semaphore_mem>>) src(%dma_wait3A_252 : memref<32768x16xf32, #tpu.memory_space<hbm>>) dst(%dma_wait3A_246 : memref<128x16xf32, #tpu.memory_space<vmem>>)
    %dma_wait3A_253 = arith.constant 5 : i32
    %dma_wait3A_254 = arith.constant 5 : i32
    %dma_wait3A_255 = arith.constant 0 : i32
    %dma_wait3A_256 = arith.constant 0 : i32
    %dma_wait3A_257 = tpu.memref_slice %arg6[%dma_wait3A_254, %dma_wait3A_255, %dma_wait3A_256] : memref<16x128x16xf32, #tpu.memory_space<vmem>> -> memref<1x128x16xf32, #tpu.memory_space<vmem>>
    %dma_wait3A_258 = tpu.memref_squeeze %dma_wait3A_257 : memref<1x128x16xf32, #tpu.memory_space<vmem>> -> memref<128x16xf32, #tpu.memory_space<vmem>>
    %dma_wait3A_259 = arith.constant 0 : i32
    %dma_wait3A_260 = tpu.memref_slice %arg5[%dma_wait3A_253, %dma_wait3A_259] : memref<16x128xi32, #tpu.memory_space<vmem>> -> memref<1x128xi32, #tpu.memory_space<vmem>>
    %dma_wait3A_261 = tpu.memref_squeeze %dma_wait3A_260 : memref<1x128xi32, #tpu.memory_space<vmem>> -> memref<128xi32, #tpu.memory_space<vmem>>
    %dma_wait3A_262 = arith.constant 0 : i32
    %dma_wait3A_263 = arith.constant 0 : i32
    %dma_wait3A_264 = tpu.memref_slice %arg2[%dma_wait3A_262, %dma_wait3A_263] : memref<32768x16xf32, #tpu.memory_space<hbm>> -> memref<32768x16xf32, #tpu.memory_space<hbm>>
    tpu.wait_indirect_dma semaphore(%arg7 : memref<!tpu.dma_semaphore, #tpu.memory_space<semaphore_mem>>) src(%dma_wait3A_264 : memref<32768x16xf32, #tpu.memory_space<hbm>>) dst(%dma_wait3A_258 : memref<128x16xf32, #tpu.memory_space<vmem>>)
    %dma_wait3A_265 = arith.constant 6 : i32
    %dma_wait3A_266 = arith.constant 6 : i32
    %dma_wait3A_267 = arith.constant 0 : i32
    %dma_wait3A_268 = arith.constant 0 : i32
    %dma_wait3A_269 = tpu.memref_slice %arg6[%dma_wait3A_266, %dma_wait3A_267, %dma_wait3A_268] : memref<16x128x16xf32, #tpu.memory_space<vmem>> -> memref<1x128x16xf32, #tpu.memory_space<vmem>>
    %dma_wait3A_270 = tpu.memref_squeeze %dma_wait3A_269 : memref<1x128x16xf32, #tpu.memory_space<vmem>> -> memref<128x16xf32, #tpu.memory_space<vmem>>
    %dma_wait3A_271 = arith.constant 0 : i32
    %dma_wait3A_272 = tpu.memref_slice %arg5[%dma_wait3A_265, %dma_wait3A_271] : memref<16x128xi32, #tpu.memory_space<vmem>> -> memref<1x128xi32, #tpu.memory_space<vmem>>
    %dma_wait3A_273 = tpu.memref_squeeze %dma_wait3A_272 : memref<1x128xi32, #tpu.memory_space<vmem>> -> memref<128xi32, #tpu.memory_space<vmem>>
    %dma_wait3A_274 = arith.constant 0 : i32
    %dma_wait3A_275 = arith.constant 0 : i32
    %dma_wait3A_276 = tpu.memref_slice %arg2[%dma_wait3A_274, %dma_wait3A_275] : memref<32768x16xf32, #tpu.memory_space<hbm>> -> memref<32768x16xf32, #tpu.memory_space<hbm>>
    tpu.wait_indirect_dma semaphore(%arg7 : memref<!tpu.dma_semaphore, #tpu.memory_space<semaphore_mem>>) src(%dma_wait3A_276 : memref<32768x16xf32, #tpu.memory_space<hbm>>) dst(%dma_wait3A_270 : memref<128x16xf32, #tpu.memory_space<vmem>>)
    %dma_wait3A_277 = arith.constant 7 : i32
    %dma_wait3A_278 = arith.constant 7 : i32
    %dma_wait3A_279 = arith.constant 0 : i32
    %dma_wait3A_280 = arith.constant 0 : i32
    %dma_wait3A_281 = tpu.memref_slice %arg6[%dma_wait3A_278, %dma_wait3A_279, %dma_wait3A_280] : memref<16x128x16xf32, #tpu.memory_space<vmem>> -> memref<1x128x16xf32, #tpu.memory_space<vmem>>
    %dma_wait3A_282 = tpu.memref_squeeze %dma_wait3A_281 : memref<1x128x16xf32, #tpu.memory_space<vmem>> -> memref<128x16xf32, #tpu.memory_space<vmem>>
    %dma_wait3A_283 = arith.constant 0 : i32
    %dma_wait3A_284 = tpu.memref_slice %arg5[%dma_wait3A_277, %dma_wait3A_283] : memref<16x128xi32, #tpu.memory_space<vmem>> -> memref<1x128xi32, #tpu.memory_space<vmem>>
    %dma_wait3A_285 = tpu.memref_squeeze %dma_wait3A_284 : memref<1x128xi32, #tpu.memory_space<vmem>> -> memref<128xi32, #tpu.memory_space<vmem>>
    %dma_wait3A_286 = arith.constant 0 : i32
    %dma_wait3A_287 = arith.constant 0 : i32
    %dma_wait3A_288 = tpu.memref_slice %arg2[%dma_wait3A_286, %dma_wait3A_287] : memref<32768x16xf32, #tpu.memory_space<hbm>> -> memref<32768x16xf32, #tpu.memory_space<hbm>>
    tpu.wait_indirect_dma semaphore(%arg7 : memref<!tpu.dma_semaphore, #tpu.memory_space<semaphore_mem>>) src(%dma_wait3A_288 : memref<32768x16xf32, #tpu.memory_space<hbm>>) dst(%dma_wait3A_282 : memref<128x16xf32, #tpu.memory_space<vmem>>)
    %dma_wait3A_289 = arith.constant 8 : i32
    %dma_wait3A_290 = arith.constant 8 : i32
    %dma_wait3A_291 = arith.constant 0 : i32
    %dma_wait3A_292 = arith.constant 0 : i32
    %dma_wait3A_293 = tpu.memref_slice %arg6[%dma_wait3A_290, %dma_wait3A_291, %dma_wait3A_292] : memref<16x128x16xf32, #tpu.memory_space<vmem>> -> memref<1x128x16xf32, #tpu.memory_space<vmem>>
    %dma_wait3A_294 = tpu.memref_squeeze %dma_wait3A_293 : memref<1x128x16xf32, #tpu.memory_space<vmem>> -> memref<128x16xf32, #tpu.memory_space<vmem>>
    %dma_wait3A_295 = arith.constant 0 : i32
    %dma_wait3A_296 = tpu.memref_slice %arg5[%dma_wait3A_289, %dma_wait3A_295] : memref<16x128xi32, #tpu.memory_space<vmem>> -> memref<1x128xi32, #tpu.memory_space<vmem>>
    %dma_wait3A_297 = tpu.memref_squeeze %dma_wait3A_296 : memref<1x128xi32, #tpu.memory_space<vmem>> -> memref<128xi32, #tpu.memory_space<vmem>>
    %dma_wait3A_298 = arith.constant 0 : i32
    %dma_wait3A_299 = arith.constant 0 : i32
    %dma_wait3A_300 = tpu.memref_slice %arg2[%dma_wait3A_298, %dma_wait3A_299] : memref<32768x16xf32, #tpu.memory_space<hbm>> -> memref<32768x16xf32, #tpu.memory_space<hbm>>
    tpu.wait_indirect_dma semaphore(%arg7 : memref<!tpu.dma_semaphore, #tpu.memory_space<semaphore_mem>>) src(%dma_wait3A_300 : memref<32768x16xf32, #tpu.memory_space<hbm>>) dst(%dma_wait3A_294 : memref<128x16xf32, #tpu.memory_space<vmem>>)
    %dma_wait3A_301 = arith.constant 9 : i32
    %dma_wait3A_302 = arith.constant 9 : i32
    %dma_wait3A_303 = arith.constant 0 : i32
    %dma_wait3A_304 = arith.constant 0 : i32
    %dma_wait3A_305 = tpu.memref_slice %arg6[%dma_wait3A_302, %dma_wait3A_303, %dma_wait3A_304] : memref<16x128x16xf32, #tpu.memory_space<vmem>> -> memref<1x128x16xf32, #tpu.memory_space<vmem>>
    %dma_wait3A_306 = tpu.memref_squeeze %dma_wait3A_305 : memref<1x128x16xf32, #tpu.memory_space<vmem>> -> memref<128x16xf32, #tpu.memory_space<vmem>>
    %dma_wait3A_307 = arith.constant 0 : i32
    %dma_wait3A_308 = tpu.memref_slice %arg5[%dma_wait3A_301, %dma_wait3A_307] : memref<16x128xi32, #tpu.memory_space<vmem>> -> memref<1x128xi32, #tpu.memory_space<vmem>>
    %dma_wait3A_309 = tpu.memref_squeeze %dma_wait3A_308 : memref<1x128xi32, #tpu.memory_space<vmem>> -> memref<128xi32, #tpu.memory_space<vmem>>
    %dma_wait3A_310 = arith.constant 0 : i32
    %dma_wait3A_311 = arith.constant 0 : i32
    %dma_wait3A_312 = tpu.memref_slice %arg2[%dma_wait3A_310, %dma_wait3A_311] : memref<32768x16xf32, #tpu.memory_space<hbm>> -> memref<32768x16xf32, #tpu.memory_space<hbm>>
    tpu.wait_indirect_dma semaphore(%arg7 : memref<!tpu.dma_semaphore, #tpu.memory_space<semaphore_mem>>) src(%dma_wait3A_312 : memref<32768x16xf32, #tpu.memory_space<hbm>>) dst(%dma_wait3A_306 : memref<128x16xf32, #tpu.memory_space<vmem>>)
    %dma_wait3A_313 = arith.constant 10 : i32
    %dma_wait3A_314 = arith.constant 10 : i32
    %dma_wait3A_315 = arith.constant 0 : i32
    %dma_wait3A_316 = arith.constant 0 : i32
    %dma_wait3A_317 = tpu.memref_slice %arg6[%dma_wait3A_314, %dma_wait3A_315, %dma_wait3A_316] : memref<16x128x16xf32, #tpu.memory_space<vmem>> -> memref<1x128x16xf32, #tpu.memory_space<vmem>>
    %dma_wait3A_318 = tpu.memref_squeeze %dma_wait3A_317 : memref<1x128x16xf32, #tpu.memory_space<vmem>> -> memref<128x16xf32, #tpu.memory_space<vmem>>
    %dma_wait3A_319 = arith.constant 0 : i32
    %dma_wait3A_320 = tpu.memref_slice %arg5[%dma_wait3A_313, %dma_wait3A_319] : memref<16x128xi32, #tpu.memory_space<vmem>> -> memref<1x128xi32, #tpu.memory_space<vmem>>
    %dma_wait3A_321 = tpu.memref_squeeze %dma_wait3A_320 : memref<1x128xi32, #tpu.memory_space<vmem>> -> memref<128xi32, #tpu.memory_space<vmem>>
    %dma_wait3A_322 = arith.constant 0 : i32
    %dma_wait3A_323 = arith.constant 0 : i32
    %dma_wait3A_324 = tpu.memref_slice %arg2[%dma_wait3A_322, %dma_wait3A_323] : memref<32768x16xf32, #tpu.memory_space<hbm>> -> memref<32768x16xf32, #tpu.memory_space<hbm>>
    tpu.wait_indirect_dma semaphore(%arg7 : memref<!tpu.dma_semaphore, #tpu.memory_space<semaphore_mem>>) src(%dma_wait3A_324 : memref<32768x16xf32, #tpu.memory_space<hbm>>) dst(%dma_wait3A_318 : memref<128x16xf32, #tpu.memory_space<vmem>>)
    %dma_wait3A_325 = arith.constant 11 : i32
    %dma_wait3A_326 = arith.constant 11 : i32
    %dma_wait3A_327 = arith.constant 0 : i32
    %dma_wait3A_328 = arith.constant 0 : i32
    %dma_wait3A_329 = tpu.memref_slice %arg6[%dma_wait3A_326, %dma_wait3A_327, %dma_wait3A_328] : memref<16x128x16xf32, #tpu.memory_space<vmem>> -> memref<1x128x16xf32, #tpu.memory_space<vmem>>
    %dma_wait3A_330 = tpu.memref_squeeze %dma_wait3A_329 : memref<1x128x16xf32, #tpu.memory_space<vmem>> -> memref<128x16xf32, #tpu.memory_space<vmem>>
    %dma_wait3A_331 = arith.constant 0 : i32
    %dma_wait3A_332 = tpu.memref_slice %arg5[%dma_wait3A_325, %dma_wait3A_331] : memref<16x128xi32, #tpu.memory_space<vmem>> -> memref<1x128xi32, #tpu.memory_space<vmem>>
    %dma_wait3A_333 = tpu.memref_squeeze %dma_wait3A_332 : memref<1x128xi32, #tpu.memory_space<vmem>> -> memref<128xi32, #tpu.memory_space<vmem>>
    %dma_wait3A_334 = arith.constant 0 : i32
    %dma_wait3A_335 = arith.constant 0 : i32
    %dma_wait3A_336 = tpu.memref_slice %arg2[%dma_wait3A_334, %dma_wait3A_335] : memref<32768x16xf32, #tpu.memory_space<hbm>> -> memref<32768x16xf32, #tpu.memory_space<hbm>>
    tpu.wait_indirect_dma semaphore(%arg7 : memref<!tpu.dma_semaphore, #tpu.memory_space<semaphore_mem>>) src(%dma_wait3A_336 : memref<32768x16xf32, #tpu.memory_space<hbm>>) dst(%dma_wait3A_330 : memref<128x16xf32, #tpu.memory_space<vmem>>)
    %dma_wait3A_337 = arith.constant 12 : i32
    %dma_wait3A_338 = arith.constant 12 : i32
    %dma_wait3A_339 = arith.constant 0 : i32
    %dma_wait3A_340 = arith.constant 0 : i32
    %dma_wait3A_341 = tpu.memref_slice %arg6[%dma_wait3A_338, %dma_wait3A_339, %dma_wait3A_340] : memref<16x128x16xf32, #tpu.memory_space<vmem>> -> memref<1x128x16xf32, #tpu.memory_space<vmem>>
    %dma_wait3A_342 = tpu.memref_squeeze %dma_wait3A_341 : memref<1x128x16xf32, #tpu.memory_space<vmem>> -> memref<128x16xf32, #tpu.memory_space<vmem>>
    %dma_wait3A_343 = arith.constant 0 : i32
    %dma_wait3A_344 = tpu.memref_slice %arg5[%dma_wait3A_337, %dma_wait3A_343] : memref<16x128xi32, #tpu.memory_space<vmem>> -> memref<1x128xi32, #tpu.memory_space<vmem>>
    %dma_wait3A_345 = tpu.memref_squeeze %dma_wait3A_344 : memref<1x128xi32, #tpu.memory_space<vmem>> -> memref<128xi32, #tpu.memory_space<vmem>>
    %dma_wait3A_346 = arith.constant 0 : i32
    %dma_wait3A_347 = arith.constant 0 : i32
    %dma_wait3A_348 = tpu.memref_slice %arg2[%dma_wait3A_346, %dma_wait3A_347] : memref<32768x16xf32, #tpu.memory_space<hbm>> -> memref<32768x16xf32, #tpu.memory_space<hbm>>
    tpu.wait_indirect_dma semaphore(%arg7 : memref<!tpu.dma_semaphore, #tpu.memory_space<semaphore_mem>>) src(%dma_wait3A_348 : memref<32768x16xf32, #tpu.memory_space<hbm>>) dst(%dma_wait3A_342 : memref<128x16xf32, #tpu.memory_space<vmem>>)
    %dma_wait3A_349 = arith.constant 13 : i32
    %dma_wait3A_350 = arith.constant 13 : i32
    %dma_wait3A_351 = arith.constant 0 : i32
    %dma_wait3A_352 = arith.constant 0 : i32
    %dma_wait3A_353 = tpu.memref_slice %arg6[%dma_wait3A_350, %dma_wait3A_351, %dma_wait3A_352] : memref<16x128x16xf32, #tpu.memory_space<vmem>> -> memref<1x128x16xf32, #tpu.memory_space<vmem>>
    %dma_wait3A_354 = tpu.memref_squeeze %dma_wait3A_353 : memref<1x128x16xf32, #tpu.memory_space<vmem>> -> memref<128x16xf32, #tpu.memory_space<vmem>>
    %dma_wait3A_355 = arith.constant 0 : i32
    %dma_wait3A_356 = tpu.memref_slice %arg5[%dma_wait3A_349, %dma_wait3A_355] : memref<16x128xi32, #tpu.memory_space<vmem>> -> memref<1x128xi32, #tpu.memory_space<vmem>>
    %dma_wait3A_357 = tpu.memref_squeeze %dma_wait3A_356 : memref<1x128xi32, #tpu.memory_space<vmem>> -> memref<128xi32, #tpu.memory_space<vmem>>
    %dma_wait3A_358 = arith.constant 0 : i32
    %dma_wait3A_359 = arith.constant 0 : i32
    %dma_wait3A_360 = tpu.memref_slice %arg2[%dma_wait3A_358, %dma_wait3A_359] : memref<32768x16xf32, #tpu.memory_space<hbm>> -> memref<32768x16xf32, #tpu.memory_space<hbm>>
    tpu.wait_indirect_dma semaphore(%arg7 : memref<!tpu.dma_semaphore, #tpu.memory_space<semaphore_mem>>) src(%dma_wait3A_360 : memref<32768x16xf32, #tpu.memory_space<hbm>>) dst(%dma_wait3A_354 : memref<128x16xf32, #tpu.memory_space<vmem>>)
    %dma_wait3A_361 = arith.constant 14 : i32
    %dma_wait3A_362 = arith.constant 14 : i32
    %dma_wait3A_363 = arith.constant 0 : i32
    %dma_wait3A_364 = arith.constant 0 : i32
    %dma_wait3A_365 = tpu.memref_slice %arg6[%dma_wait3A_362, %dma_wait3A_363, %dma_wait3A_364] : memref<16x128x16xf32, #tpu.memory_space<vmem>> -> memref<1x128x16xf32, #tpu.memory_space<vmem>>
    %dma_wait3A_366 = tpu.memref_squeeze %dma_wait3A_365 : memref<1x128x16xf32, #tpu.memory_space<vmem>> -> memref<128x16xf32, #tpu.memory_space<vmem>>
    %dma_wait3A_367 = arith.constant 0 : i32
    %dma_wait3A_368 = tpu.memref_slice %arg5[%dma_wait3A_361, %dma_wait3A_367] : memref<16x128xi32, #tpu.memory_space<vmem>> -> memref<1x128xi32, #tpu.memory_space<vmem>>
    %dma_wait3A_369 = tpu.memref_squeeze %dma_wait3A_368 : memref<1x128xi32, #tpu.memory_space<vmem>> -> memref<128xi32, #tpu.memory_space<vmem>>
    %dma_wait3A_370 = arith.constant 0 : i32
    %dma_wait3A_371 = arith.constant 0 : i32
    %dma_wait3A_372 = tpu.memref_slice %arg2[%dma_wait3A_370, %dma_wait3A_371] : memref<32768x16xf32, #tpu.memory_space<hbm>> -> memref<32768x16xf32, #tpu.memory_space<hbm>>
    tpu.wait_indirect_dma semaphore(%arg7 : memref<!tpu.dma_semaphore, #tpu.memory_space<semaphore_mem>>) src(%dma_wait3A_372 : memref<32768x16xf32, #tpu.memory_space<hbm>>) dst(%dma_wait3A_366 : memref<128x16xf32, #tpu.memory_space<vmem>>)
    %dma_wait3A_373 = arith.constant 15 : i32
    %dma_wait3A_374 = arith.constant 15 : i32
    %dma_wait3A_375 = arith.constant 0 : i32
    %dma_wait3A_376 = arith.constant 0 : i32
    %dma_wait3A_377 = tpu.memref_slice %arg6[%dma_wait3A_374, %dma_wait3A_375, %dma_wait3A_376] : memref<16x128x16xf32, #tpu.memory_space<vmem>> -> memref<1x128x16xf32, #tpu.memory_space<vmem>>
    %dma_wait3A_378 = tpu.memref_squeeze %dma_wait3A_377 : memref<1x128x16xf32, #tpu.memory_space<vmem>> -> memref<128x16xf32, #tpu.memory_space<vmem>>
    %dma_wait3A_379 = arith.constant 0 : i32
    %dma_wait3A_380 = tpu.memref_slice %arg5[%dma_wait3A_373, %dma_wait3A_379] : memref<16x128xi32, #tpu.memory_space<vmem>> -> memref<1x128xi32, #tpu.memory_space<vmem>>
    %dma_wait3A_381 = tpu.memref_squeeze %dma_wait3A_380 : memref<1x128xi32, #tpu.memory_space<vmem>> -> memref<128xi32, #tpu.memory_space<vmem>>
    %dma_wait3A_382 = arith.constant 0 : i32
    %dma_wait3A_383 = arith.constant 0 : i32
    %dma_wait3A_384 = tpu.memref_slice %arg2[%dma_wait3A_382, %dma_wait3A_383] : memref<32768x16xf32, #tpu.memory_space<hbm>> -> memref<32768x16xf32, #tpu.memory_space<hbm>>
    tpu.wait_indirect_dma semaphore(%arg7 : memref<!tpu.dma_semaphore, #tpu.memory_space<semaphore_mem>>) src(%dma_wait3A_384 : memref<32768x16xf32, #tpu.memory_space<hbm>>) dst(%dma_wait3A_378 : memref<128x16xf32, #tpu.memory_space<vmem>>)
    "tpu.region"() ({
      %run_scoped3A = tpu.sem_alloc : memref<!tpu.dma_semaphore, #tpu.memory_space<semaphore_mem>>
      %dma_start3A_385 = arith.constant 0 : i32
      %dma_start3A_386 = arith.constant 0 : i32
      %dma_start3A_387 = tpu.memref_slice %arg4[%mul3A_2, %dma_start3A_385, %dma_start3A_386] : memref<512x128x16xf32, #tpu.memory_space<hbm>> -> memref<16x128x16xf32, #tpu.memory_space<hbm>>
      %dma_start3A_388 = arith.constant 0 : i32
      %dma_start3A_389 = arith.constant 0 : i32
      %dma_start3A_390 = tpu.memref_slice %arg4[%mul3A_2, %dma_start3A_388, %dma_start3A_389] : memref<512x128x16xf32, #tpu.memory_space<hbm>> -> memref<16x128x16xf32, #tpu.memory_space<hbm>>
      tpu.enqueue_dma source(%arg6 : memref<16x128x16xf32, #tpu.memory_space<vmem>>) target(%dma_start3A_390 : memref<16x128x16xf32, #tpu.memory_space<hbm>>) target_semaphore(%run_scoped3A : memref<!tpu.dma_semaphore, #tpu.memory_space<semaphore_mem>>)
      %dma_wait3A_391 = arith.constant 0 : i32
      %dma_wait3A_392 = arith.constant 0 : i32
      %dma_wait3A_393 = tpu.memref_slice %arg4[%mul3A_2, %dma_wait3A_391, %dma_wait3A_392] : memref<512x128x16xf32, #tpu.memory_space<hbm>> -> memref<16x128x16xf32, #tpu.memory_space<hbm>>
      %dma_wait3A_394 = arith.constant 0 : i32
      %dma_wait3A_395 = arith.constant 0 : i32
      %dma_wait3A_396 = tpu.memref_slice %arg4[%mul3A_2, %dma_wait3A_394, %dma_wait3A_395] : memref<512x128x16xf32, #tpu.memory_space<hbm>> -> memref<16x128x16xf32, #tpu.memory_space<hbm>>
      tpu.wait_dma2 semaphore(%run_scoped3A : memref<!tpu.dma_semaphore, #tpu.memory_space<semaphore_mem>>) src(%arg6 : memref<16x128x16xf32, #tpu.memory_space<vmem>>) dst(%dma_wait3A_396 : memref<16x128x16xf32, #tpu.memory_space<hbm>>)
      tpu.yield
    }) : () -> ()
    return
  }
}

module attributes {stable_mosaic.version = 14 : i64} {
  func.func @_fps_body(%arg0: memref<4x3x8x1024xf32, #tpu.memory_space<vmem>>, %arg1: memref<4x512xf32, #tpu.memory_space<vmem>>, %arg2: memref<4x512xf32, #tpu.memory_space<vmem>>, %arg3: memref<4x512xf32, #tpu.memory_space<vmem>>) attributes {dimension_semantics = [], scalar_prefetch = 0 : i64, scratch_operands = 0 : i64, tpu.core_type = #tpu.core_type<tc>} {
    %get3A = arith.constant 0 : index
    %get3A_0 = arith.constant 0 : index
    %get3A_1 = arith.constant 0 : index
    %get3A_2 = arith.constant 0 : index
    %get3A_3 = vector.load %arg0[%get3A, %get3A_0, %get3A_1, %get3A_2] : memref<4x3x8x1024xf32, #tpu.memory_space<vmem>>, vector<4x1x8x1024xf32>
    %get3A_4 = vector.shape_cast %get3A_3 : vector<4x1x8x1024xf32> to vector<4x8x1024xf32>
    %get3A_5 = arith.constant 0 : index
    %get3A_6 = arith.constant 1 : index
    %get3A_7 = arith.constant 0 : index
    %get3A_8 = arith.constant 0 : index
    %get3A_9 = vector.load %arg0[%get3A_5, %get3A_6, %get3A_7, %get3A_8] : memref<4x3x8x1024xf32, #tpu.memory_space<vmem>>, vector<4x1x8x1024xf32>
    %get3A_10 = vector.shape_cast %get3A_9 : vector<4x1x8x1024xf32> to vector<4x8x1024xf32>
    %get3A_11 = arith.constant 0 : index
    %get3A_12 = arith.constant 2 : index
    %get3A_13 = arith.constant 0 : index
    %get3A_14 = arith.constant 0 : index
    %get3A_15 = vector.load %arg0[%get3A_11, %get3A_12, %get3A_13, %get3A_14] : memref<4x3x8x1024xf32, #tpu.memory_space<vmem>>, vector<4x1x8x1024xf32>
    %get3A_16 = vector.shape_cast %get3A_15 : vector<4x1x8x1024xf32> to vector<4x8x1024xf32>
    %iota3A = tpu.iota {dimensions = array<i32: 1>} : vector<4x8x1024xi32>
    %mul3A = arith.constant 1024 : i32
    %mul3A_17 = vector.broadcast %mul3A : i32 to vector<4x8x1024xi32>
    %mul3A_18 = arith.muli %iota3A, %mul3A_17 : vector<4x8x1024xi32>
    %iota3A_19 = tpu.iota {dimensions = array<i32: 2>} : vector<4x8x1024xi32>
    %add3A = arith.addi %mul3A_18, %iota3A_19 : vector<4x8x1024xi32>
    %iota3A_20 = tpu.iota {dimensions = array<i32: 1>} : vector<4x512xi32>
    %slice3A = vector.extract_strided_slice %get3A_4 {offsets = [0, 0, 0], sizes = [4, 1, 1], strides = [1, 1, 1]} : vector<4x8x1024xf32> to vector<4x1x1xf32>
    %squeeze3A = vector.shape_cast %slice3A : vector<4x1x1xf32> to vector<4xf32>
    %slice3A_21 = vector.extract_strided_slice %get3A_10 {offsets = [0, 0, 0], sizes = [4, 1, 1], strides = [1, 1, 1]} : vector<4x8x1024xf32> to vector<4x1x1xf32>
    %squeeze3A_22 = vector.shape_cast %slice3A_21 : vector<4x1x1xf32> to vector<4xf32>
    %slice3A_23 = vector.extract_strided_slice %get3A_16 {offsets = [0, 0, 0], sizes = [4, 1, 1], strides = [1, 1, 1]} : vector<4x8x1024xf32> to vector<4x1x1xf32>
    %squeeze3A_24 = vector.shape_cast %slice3A_23 : vector<4x1x1xf32> to vector<4xf32>
    %eq3A = arith.constant 0 : i32
    %eq3A_25 = vector.broadcast %eq3A : i32 to vector<4x512xi32>
    %eq3A_26 = arith.cmpi eq, %iota3A_20, %eq3A_25 : vector<4x512xi32>
    %broadcast_in_dim3A = vector.shape_cast %squeeze3A : vector<4xf32> to vector<4x1xf32>
    %jit3A = arith.constant 0.000000e+00 : f32
    %broadcast_in_dim3A_27 = vector.shape_cast %broadcast_in_dim3A : vector<4x1xf32> to vector<4x1xf32>
    %broadcast_in_dim3A_28 = vector.broadcast %broadcast_in_dim3A_27 : vector<4x1xf32> to vector<4x512xf32>
    %broadcast_in_dim3A_29 = vector.broadcast %jit3A : f32 to vector<4x512xf32>
    %select_n3A = arith.select %eq3A_26, %broadcast_in_dim3A_28, %broadcast_in_dim3A_29 : vector<4x512xi1>, vector<4x512xf32>
    %eq3A_30 = arith.constant 0 : i32
    %eq3A_31 = vector.broadcast %eq3A_30 : i32 to vector<4x512xi32>
    %eq3A_32 = arith.cmpi eq, %iota3A_20, %eq3A_31 : vector<4x512xi32>
    %broadcast_in_dim3A_33 = vector.shape_cast %squeeze3A_22 : vector<4xf32> to vector<4x1xf32>
    %jit3A_34 = arith.constant 0.000000e+00 : f32
    %broadcast_in_dim3A_35 = vector.shape_cast %broadcast_in_dim3A_33 : vector<4x1xf32> to vector<4x1xf32>
    %broadcast_in_dim3A_36 = vector.broadcast %broadcast_in_dim3A_35 : vector<4x1xf32> to vector<4x512xf32>
    %broadcast_in_dim3A_37 = vector.broadcast %jit3A_34 : f32 to vector<4x512xf32>
    %select_n3A_38 = arith.select %eq3A_32, %broadcast_in_dim3A_36, %broadcast_in_dim3A_37 : vector<4x512xi1>, vector<4x512xf32>
    %eq3A_39 = arith.constant 0 : i32
    %eq3A_40 = vector.broadcast %eq3A_39 : i32 to vector<4x512xi32>
    %eq3A_41 = arith.cmpi eq, %iota3A_20, %eq3A_40 : vector<4x512xi32>
    %broadcast_in_dim3A_42 = vector.shape_cast %squeeze3A_24 : vector<4xf32> to vector<4x1xf32>
    %jit3A_43 = arith.constant 0.000000e+00 : f32
    %broadcast_in_dim3A_44 = vector.shape_cast %broadcast_in_dim3A_42 : vector<4x1xf32> to vector<4x1xf32>
    %broadcast_in_dim3A_45 = vector.broadcast %broadcast_in_dim3A_44 : vector<4x1xf32> to vector<4x512xf32>
    %broadcast_in_dim3A_46 = vector.broadcast %jit3A_43 : f32 to vector<4x512xf32>
    %select_n3A_47 = arith.select %eq3A_41, %broadcast_in_dim3A_45, %broadcast_in_dim3A_46 : vector<4x512xi1>, vector<4x512xf32>
    %broadcast_in_dim3A_48 = vector.shape_cast %squeeze3A : vector<4xf32> to vector<4x1x1xf32>
    %sub3A = vector.broadcast %broadcast_in_dim3A_48 : vector<4x1x1xf32> to vector<4x8x1024xf32>
    %sub3A_49 = arith.subf %get3A_4, %sub3A : vector<4x8x1024xf32>
    %integer_pow3A = arith.mulf %sub3A_49, %sub3A_49 : vector<4x8x1024xf32>
    %broadcast_in_dim3A_50 = vector.shape_cast %squeeze3A_22 : vector<4xf32> to vector<4x1x1xf32>
    %sub3A_51 = vector.broadcast %broadcast_in_dim3A_50 : vector<4x1x1xf32> to vector<4x8x1024xf32>
    %sub3A_52 = arith.subf %get3A_10, %sub3A_51 : vector<4x8x1024xf32>
    %integer_pow3A_53 = arith.mulf %sub3A_52, %sub3A_52 : vector<4x8x1024xf32>
    %add3A_54 = arith.addf %integer_pow3A, %integer_pow3A_53 : vector<4x8x1024xf32>
    %broadcast_in_dim3A_55 = vector.shape_cast %squeeze3A_24 : vector<4xf32> to vector<4x1x1xf32>
    %sub3A_56 = vector.broadcast %broadcast_in_dim3A_55 : vector<4x1x1xf32> to vector<4x8x1024xf32>
    %sub3A_57 = arith.subf %get3A_16, %sub3A_56 : vector<4x8x1024xf32>
    %integer_pow3A_58 = arith.mulf %sub3A_57, %sub3A_57 : vector<4x8x1024xf32>
    %add3A_59 = arith.addf %add3A_54, %integer_pow3A_58 : vector<4x8x1024xf32>
    %scan3A = arith.constant 1 : i32
    %scan3A_60 = arith.constant 511 : i32
    %scan3A_61 = arith.addi %scan3A, %scan3A_60 : i32
    %scan3A_62 = arith.constant 1 : i32
    %scan3A_63:4 = scf.for %scan3A_73 = %scan3A to %scan3A_61 step %scan3A_62 iter_args(%scan3A_74 = %add3A_59, %scan3A_75 = %select_n3A, %scan3A_76 = %select_n3A_38, %scan3A_77 = %select_n3A_47) -> (vector<4x8x1024xf32>, vector<4x512xf32>, vector<4x512xf32>, vector<4x512xf32>)  : i32 {
      %reduce_max3A = arith.constant dense<0xFF800000> : vector<4xf32>
      %reduce_max3A_78 = vector.multi_reduction <maximumf>, %scan3A_74, %reduce_max3A [1, 2] : vector<4x8x1024xf32> to vector<4xf32>
      %broadcast_in_dim3A_79 = vector.shape_cast %reduce_max3A_78 : vector<4xf32> to vector<4x1x1xf32>
      %eq3A_80 = vector.broadcast %broadcast_in_dim3A_79 : vector<4x1x1xf32> to vector<4x8x1024xf32>
      %eq3A_81 = arith.cmpf oeq, %scan3A_74, %eq3A_80 : vector<4x8x1024xf32>
      %jit3A_82 = arith.constant 8192 : i32
      %broadcast_in_dim3A_83 = vector.broadcast %jit3A_82 : i32 to vector<4x8x1024xi32>
      %select_n3A_84 = arith.select %eq3A_81, %add3A, %broadcast_in_dim3A_83 : vector<4x8x1024xi1>, vector<4x8x1024xi32>
      %reduce_min3A = arith.constant dense<2147483647> : vector<4xi32>
      %reduce_min3A_85 = vector.multi_reduction <minsi>, %select_n3A_84, %reduce_min3A [1, 2] : vector<4x8x1024xi32> to vector<4xi32>
      %broadcast_in_dim3A_86 = vector.shape_cast %reduce_min3A_85 : vector<4xi32> to vector<4x1x1xi32>
      %eq3A_87 = vector.broadcast %broadcast_in_dim3A_86 : vector<4x1x1xi32> to vector<4x8x1024xi32>
      %eq3A_88 = arith.cmpi eq, %add3A, %eq3A_87 : vector<4x8x1024xi32>
      %jit3A_89 = arith.constant 0.000000e+00 : f32
      %broadcast_in_dim3A_90 = vector.broadcast %jit3A_89 : f32 to vector<4x8x1024xf32>
      %select_n3A_91 = arith.select %eq3A_88, %get3A_4, %broadcast_in_dim3A_90 : vector<4x8x1024xi1>, vector<4x8x1024xf32>
      %reduce_sum3A = arith.constant dense<0.000000e+00> : vector<4xf32>
      %reduce_sum3A_92 = vector.multi_reduction <add>, %select_n3A_91, %reduce_sum3A [1, 2] : vector<4x8x1024xf32> to vector<4xf32>
      %jit3A_93 = arith.constant 0.000000e+00 : f32
      %broadcast_in_dim3A_94 = vector.broadcast %jit3A_93 : f32 to vector<4x8x1024xf32>
      %select_n3A_95 = arith.select %eq3A_88, %get3A_10, %broadcast_in_dim3A_94 : vector<4x8x1024xi1>, vector<4x8x1024xf32>
      %reduce_sum3A_96 = arith.constant dense<0.000000e+00> : vector<4xf32>
      %reduce_sum3A_97 = vector.multi_reduction <add>, %select_n3A_95, %reduce_sum3A_96 [1, 2] : vector<4x8x1024xf32> to vector<4xf32>
      %jit3A_98 = arith.constant 0.000000e+00 : f32
      %broadcast_in_dim3A_99 = vector.broadcast %jit3A_98 : f32 to vector<4x8x1024xf32>
      %select_n3A_100 = arith.select %eq3A_88, %get3A_16, %broadcast_in_dim3A_99 : vector<4x8x1024xi1>, vector<4x8x1024xf32>
      %reduce_sum3A_101 = arith.constant dense<0.000000e+00> : vector<4xf32>
      %reduce_sum3A_102 = vector.multi_reduction <add>, %select_n3A_100, %reduce_sum3A_101 [1, 2] : vector<4x8x1024xf32> to vector<4xf32>
      %eq3A_103 = vector.broadcast %scan3A_73 : i32 to vector<4x512xi32>
      %eq3A_104 = arith.cmpi eq, %iota3A_20, %eq3A_103 : vector<4x512xi32>
      %broadcast_in_dim3A_105 = vector.shape_cast %reduce_sum3A_92 : vector<4xf32> to vector<4x1xf32>
      %broadcast_in_dim3A_106 = vector.shape_cast %broadcast_in_dim3A_105 : vector<4x1xf32> to vector<4x1xf32>
      %broadcast_in_dim3A_107 = vector.broadcast %broadcast_in_dim3A_106 : vector<4x1xf32> to vector<4x512xf32>
      %select_n3A_108 = arith.select %eq3A_104, %broadcast_in_dim3A_107, %scan3A_75 : vector<4x512xi1>, vector<4x512xf32>
      %eq3A_109 = vector.broadcast %scan3A_73 : i32 to vector<4x512xi32>
      %eq3A_110 = arith.cmpi eq, %iota3A_20, %eq3A_109 : vector<4x512xi32>
      %broadcast_in_dim3A_111 = vector.shape_cast %reduce_sum3A_97 : vector<4xf32> to vector<4x1xf32>
      %broadcast_in_dim3A_112 = vector.shape_cast %broadcast_in_dim3A_111 : vector<4x1xf32> to vector<4x1xf32>
      %broadcast_in_dim3A_113 = vector.broadcast %broadcast_in_dim3A_112 : vector<4x1xf32> to vector<4x512xf32>
      %select_n3A_114 = arith.select %eq3A_110, %broadcast_in_dim3A_113, %scan3A_76 : vector<4x512xi1>, vector<4x512xf32>
      %eq3A_115 = vector.broadcast %scan3A_73 : i32 to vector<4x512xi32>
      %eq3A_116 = arith.cmpi eq, %iota3A_20, %eq3A_115 : vector<4x512xi32>
      %broadcast_in_dim3A_117 = vector.shape_cast %reduce_sum3A_102 : vector<4xf32> to vector<4x1xf32>
      %broadcast_in_dim3A_118 = vector.shape_cast %broadcast_in_dim3A_117 : vector<4x1xf32> to vector<4x1xf32>
      %broadcast_in_dim3A_119 = vector.broadcast %broadcast_in_dim3A_118 : vector<4x1xf32> to vector<4x512xf32>
      %select_n3A_120 = arith.select %eq3A_116, %broadcast_in_dim3A_119, %scan3A_77 : vector<4x512xi1>, vector<4x512xf32>
      %broadcast_in_dim3A_121 = vector.shape_cast %reduce_sum3A_92 : vector<4xf32> to vector<4x1x1xf32>
      %sub3A_122 = vector.broadcast %broadcast_in_dim3A_121 : vector<4x1x1xf32> to vector<4x8x1024xf32>
      %sub3A_123 = arith.subf %get3A_4, %sub3A_122 : vector<4x8x1024xf32>
      %integer_pow3A_124 = arith.mulf %sub3A_123, %sub3A_123 : vector<4x8x1024xf32>
      %broadcast_in_dim3A_125 = vector.shape_cast %reduce_sum3A_97 : vector<4xf32> to vector<4x1x1xf32>
      %sub3A_126 = vector.broadcast %broadcast_in_dim3A_125 : vector<4x1x1xf32> to vector<4x8x1024xf32>
      %sub3A_127 = arith.subf %get3A_10, %sub3A_126 : vector<4x8x1024xf32>
      %integer_pow3A_128 = arith.mulf %sub3A_127, %sub3A_127 : vector<4x8x1024xf32>
      %add3A_129 = arith.addf %integer_pow3A_124, %integer_pow3A_128 : vector<4x8x1024xf32>
      %broadcast_in_dim3A_130 = vector.shape_cast %reduce_sum3A_102 : vector<4xf32> to vector<4x1x1xf32>
      %sub3A_131 = vector.broadcast %broadcast_in_dim3A_130 : vector<4x1x1xf32> to vector<4x8x1024xf32>
      %sub3A_132 = arith.subf %get3A_16, %sub3A_131 : vector<4x8x1024xf32>
      %integer_pow3A_133 = arith.mulf %sub3A_132, %sub3A_132 : vector<4x8x1024xf32>
      %add3A_134 = arith.addf %add3A_129, %integer_pow3A_133 : vector<4x8x1024xf32>
      %min3A = arith.minimumf %scan3A_74, %add3A_134 : vector<4x8x1024xf32>
      scf.yield %min3A, %select_n3A_108, %select_n3A_114, %select_n3A_120 : vector<4x8x1024xf32>, vector<4x512xf32>, vector<4x512xf32>, vector<4x512xf32>
    }
    %scan3A_64 = arith.constant 511 : i32
    %swap3A = arith.constant 0 : index
    %swap3A_65 = arith.constant 0 : index
    %swap3A_66 = vector.load %arg1[%swap3A, %swap3A_65] : memref<4x512xf32, #tpu.memory_space<vmem>>, vector<4x512xf32>
    tpu.vector_store %arg1[%swap3A, %swap3A_65], %scan3A_63#1 {strides = array<i32>} : memref<4x512xf32, #tpu.memory_space<vmem>>, vector<4x512xf32>,
    %swap3A_67 = arith.constant 0 : index
    %swap3A_68 = arith.constant 0 : index
    %swap3A_69 = vector.load %arg2[%swap3A_67, %swap3A_68] : memref<4x512xf32, #tpu.memory_space<vmem>>, vector<4x512xf32>
    tpu.vector_store %arg2[%swap3A_67, %swap3A_68], %scan3A_63#2 {strides = array<i32>} : memref<4x512xf32, #tpu.memory_space<vmem>>, vector<4x512xf32>,
    %swap3A_70 = arith.constant 0 : index
    %swap3A_71 = arith.constant 0 : index
    %swap3A_72 = vector.load %arg3[%swap3A_70, %swap3A_71] : memref<4x512xf32, #tpu.memory_space<vmem>>, vector<4x512xf32>
    tpu.vector_store %arg3[%swap3A_70, %swap3A_71], %scan3A_63#3 {strides = array<i32>} : memref<4x512xf32, #tpu.memory_space<vmem>>, vector<4x512xf32>,
    return
  }
}

module attributes {stable_mosaic.version = 14 : i64} {
  func.func @_knn_body(%arg0: i32, %arg1: memref<1x512x8xf32, #tpu.memory_space<vmem>>, %arg2: memref<1x8x8192xf32, #tpu.memory_space<vmem>>, %arg3: memref<1x512x32xi32, #tpu.memory_space<vmem>>, %arg4: memref<512x8192xf32, #tpu.memory_space<vmem>>) attributes {dimension_semantics = [#tpu.dimension_semantics<arbitrary>], iteration_bounds = array<i64: 4>, scalar_prefetch = 0 : i64, scratch_operands = 1 : i64, tpu.core_type = #tpu.core_type<tc>, window_params = [{transform_indices = @transform_0, window_bounds = array<i64: 1, 512, 8>}, {transform_indices = @transform_1, window_bounds = array<i64: 1, 8, 8192>}, {transform_indices = @transform_2, window_bounds = array<i64: 1, 512, 32>}]} {
    %get3A = arith.constant 0 : index
    %get3A_0 = arith.constant 0 : index
    %get3A_1 = arith.constant 0 : index
    %get3A_2 = vector.load %arg1[%get3A, %get3A_0, %get3A_1] : memref<1x512x8xf32, #tpu.memory_space<vmem>>, vector<1x512x8xf32>
    %get3A_3 = vector.shape_cast %get3A_2 : vector<1x512x8xf32> to vector<512x8xf32>
    %get3A_4 = arith.constant 0 : index
    %get3A_5 = arith.constant 0 : index
    %get3A_6 = arith.constant 0 : index
    %get3A_7 = vector.load %arg2[%get3A_4, %get3A_5, %get3A_6] : memref<1x8x8192xf32, #tpu.memory_space<vmem>>, vector<1x8x8192xf32>
    %get3A_8 = vector.shape_cast %get3A_7 : vector<1x8x8192xf32> to vector<8x8192xf32>
    %mul3A = arith.mulf %get3A_3, %get3A_3 : vector<512x8xf32>
    %reduce_sum3A = arith.constant dense<0.000000e+00> : vector<512xf32>
    %reduce_sum3A_9 = vector.multi_reduction <add>, %mul3A, %reduce_sum3A [1] : vector<512x8xf32> to vector<512xf32>
    %mul3A_10 = arith.mulf %get3A_8, %get3A_8 : vector<8x8192xf32>
    %reduce_sum3A_11 = arith.constant dense<0.000000e+00> : vector<8192xf32>
    %reduce_sum3A_12 = vector.multi_reduction <add>, %mul3A_10, %reduce_sum3A_11 [0] : vector<8x8192xf32> to vector<8192xf32>
    %broadcast_in_dim3A = vector.shape_cast %reduce_sum3A_12 : vector<8192xf32> to vector<1x8192xf32>
    %dot_general3A = arith.constant dense<0.000000e+00> : vector<512x8192xf32>
    %dot_general3A_13 = tpu.matmul %get3A_3, %get3A_8, %dot_general3A {dimension_numbers = #tpu.dot_dimension_numbers<[1], [0], [0], [1], [0, 0, 1, 1], [], []>, transpose_lhs_hint = false} : vector<512x8xf32>, vector<8x8192xf32>, vector<512x8192xf32> -> vector<512x8192xf32>
    %broadcast_in_dim3A_14 = vector.shape_cast %reduce_sum3A_9 : vector<512xf32> to vector<512x1xf32>
    %add3A = vector.broadcast %broadcast_in_dim3A_14 : vector<512x1xf32> to vector<512x8192xf32>
    %add3A_15 = vector.broadcast %broadcast_in_dim3A : vector<1x8192xf32> to vector<512x8192xf32>
    %add3A_16 = arith.addf %add3A, %add3A_15 : vector<512x8192xf32>
    %mul3A_17 = arith.constant 2.000000e+00 : f32
    %mul3A_18 = vector.broadcast %mul3A_17 : f32 to vector<512x8192xf32>
    %mul3A_19 = arith.mulf %mul3A_18, %dot_general3A_13 : vector<512x8192xf32>
    %sub3A = arith.subf %add3A_16, %mul3A_19 : vector<512x8192xf32>
    %swap3A = arith.constant 0 : index
    %swap3A_20 = arith.constant 0 : index
    %swap3A_21 = vector.load %arg4[%swap3A, %swap3A_20] : memref<512x8192xf32, #tpu.memory_space<vmem>>, vector<512x8192xf32>
    tpu.vector_store %arg4[%swap3A, %swap3A_20], %sub3A {strides = array<i32>} : memref<512x8192xf32, #tpu.memory_space<vmem>>, vector<512x8192xf32>,
    %iota3A = tpu.iota {dimensions = array<i32: 1>} : vector<512x8192xi32>
    %iota3A_22 = tpu.iota {dimensions = array<i32: 1>} : vector<512x32xi32>
    %mul3A_23 = arith.constant 8192 : i32
    %mul3A_24 = arith.muli %arg0, %mul3A_23 : i32
    %broadcast_in_dim3A_25 = arith.constant 0 : i32
    %broadcast_in_dim3A_26 = vector.broadcast %broadcast_in_dim3A_25 : i32 to vector<512x32xi32>
    %scan3A = arith.constant 0 : i32
    %scan3A_27 = arith.constant 32 : i32
    %scan3A_28 = arith.addi %scan3A, %scan3A_27 : i32
    %scan3A_29 = arith.constant 1 : i32
    %scan3A_30 = scf.for %scan3A_38 = %scan3A to %scan3A_28 step %scan3A_29 iter_args(%scan3A_39 = %broadcast_in_dim3A_26) -> (vector<512x32xi32>)  : i32 {
      %get3A_40 = arith.constant 0 : index
      %get3A_41 = arith.constant 0 : index
      %get3A_42 = vector.load %arg4[%get3A_40, %get3A_41] : memref<512x8192xf32, #tpu.memory_space<vmem>>, vector<512x8192xf32>
      %reduce_min3A = arith.constant dense<0x7F800000> : vector<512xf32>
      %reduce_min3A_43 = vector.multi_reduction <minimumf>, %get3A_42, %reduce_min3A [1] : vector<512x8192xf32> to vector<512xf32>
      %broadcast_in_dim3A_44 = vector.shape_cast %reduce_min3A_43 : vector<512xf32> to vector<512x1xf32>
      %eq3A = vector.broadcast %broadcast_in_dim3A_44 : vector<512x1xf32> to vector<512x8192xf32>
      %eq3A_45 = arith.cmpf oeq, %get3A_42, %eq3A : vector<512x8192xf32>
      %jit3A = arith.constant 8192 : i32
      %broadcast_in_dim3A_46 = vector.broadcast %jit3A : i32 to vector<512x8192xi32>
      %select_n3A = arith.select %eq3A_45, %iota3A, %broadcast_in_dim3A_46 : vector<512x8192xi1>, vector<512x8192xi32>
      %reduce_min3A_47 = arith.constant dense<2147483647> : vector<512xi32>
      %reduce_min3A_48 = vector.multi_reduction <minsi>, %select_n3A, %reduce_min3A_47 [1] : vector<512x8192xi32> to vector<512xi32>
      %eq3A_49 = vector.broadcast %scan3A_38 : i32 to vector<512x32xi32>
      %eq3A_50 = arith.cmpi eq, %iota3A_22, %eq3A_49 : vector<512x32xi32>
      %add3A_51 = vector.broadcast %mul3A_24 : i32 to vector<512xi32>
      %add3A_52 = arith.addi %reduce_min3A_48, %add3A_51 : vector<512xi32>
      %broadcast_in_dim3A_53 = vector.shape_cast %add3A_52 : vector<512xi32> to vector<512x1xi32>
      %broadcast_in_dim3A_54 = vector.shape_cast %broadcast_in_dim3A_53 : vector<512x1xi32> to vector<512x1xi32>
      %broadcast_in_dim3A_55 = vector.broadcast %broadcast_in_dim3A_54 : vector<512x1xi32> to vector<512x32xi32>
      %select_n3A_56 = arith.select %eq3A_50, %broadcast_in_dim3A_55, %scan3A_39 : vector<512x32xi1>, vector<512x32xi32>
      %broadcast_in_dim3A_57 = vector.shape_cast %reduce_min3A_48 : vector<512xi32> to vector<512x1xi32>
      %eq3A_58 = vector.broadcast %broadcast_in_dim3A_57 : vector<512x1xi32> to vector<512x8192xi32>
      %eq3A_59 = arith.cmpi eq, %iota3A, %eq3A_58 : vector<512x8192xi32>
      %jit3A_60 = arith.constant 0x7F800000 : f32
      %broadcast_in_dim3A_61 = vector.broadcast %jit3A_60 : f32 to vector<512x8192xf32>
      %select_n3A_62 = arith.select %eq3A_59, %broadcast_in_dim3A_61, %get3A_42 : vector<512x8192xi1>, vector<512x8192xf32>
      %swap3A_63 = arith.constant 0 : index
      %swap3A_64 = arith.constant 0 : index
      %swap3A_65 = vector.load %arg4[%swap3A_63, %swap3A_64] : memref<512x8192xf32, #tpu.memory_space<vmem>>, vector<512x8192xf32>
      tpu.vector_store %arg4[%swap3A_63, %swap3A_64], %select_n3A_62 {strides = array<i32>} : memref<512x8192xf32, #tpu.memory_space<vmem>>, vector<512x8192xf32>,
      scf.yield %select_n3A_56 : vector<512x32xi32>
    }
    %scan3A_31 = arith.constant 32 : i32
    %swap3A_32 = arith.constant 0 : index
    %swap3A_33 = arith.constant 0 : index
    %swap3A_34 = arith.constant 0 : index
    %swap3A_35 = vector.load %arg3[%swap3A_32, %swap3A_33, %swap3A_34] : memref<1x512x32xi32, #tpu.memory_space<vmem>>, vector<1x512x32xi32>
    %swap3A_36 = vector.shape_cast %swap3A_35 : vector<1x512x32xi32> to vector<512x32xi32>
    %swap3A_37 = vector.shape_cast %scan3A_30 : vector<512x32xi32> to vector<1x512x32xi32>
    tpu.vector_store %arg3[%swap3A_32, %swap3A_33, %swap3A_34], %swap3A_37 {strides = array<i32>} : memref<1x512x32xi32, #tpu.memory_space<vmem>>, vector<1x512x32xi32>,
    return
  }
  func.func @transform_0(%arg0: i32) -> (i32, i32, i32) {
    %c0_i32 = arith.constant 0 : i32
    %c0_i32_0 = arith.constant 0 : i32
    %c0_i32_1 = arith.constant 0 : i32
    return %arg0, %c0_i32, %c0_i32_0 : i32, i32, i32
  }
  func.func @transform_1(%arg0: i32) -> (i32, i32, i32) {
    %c0_i32 = arith.constant 0 : i32
    %c0_i32_0 = arith.constant 0 : i32
    %c0_i32_1 = arith.constant 0 : i32
    return %arg0, %c0_i32, %c0_i32_0 : i32, i32, i32
  }
  func.func @transform_2(%arg0: i32) -> (i32, i32, i32) {
    %c0_i32 = arith.constant 0 : i32
    %c0_i32_0 = arith.constant 0 : i32
    %c0_i32_1 = arith.constant 0 : i32
    return %arg0, %c0_i32, %c0_i32_0 : i32, i32, i32
  }
}

module attributes {stable_mosaic.version = 14 : i64} {
  func.func @_mlp_body(%arg0: i32, %arg1: memref<512x16xf32, #tpu.memory_space<vmem>>, %arg2: memref<16x4xf32, #tpu.memory_space<vmem>>, %arg3: memref<16x128xf32, #tpu.memory_space<vmem>>, %arg4: memref<4x128xf32, #tpu.memory_space<vmem>>, %arg5: memref<1x128xf32, #tpu.memory_space<vmem>>, %arg6: memref<128x256xf32, #tpu.memory_space<vmem>>, %arg7: memref<1x256xf32, #tpu.memory_space<vmem>>, %arg8: memref<256x512xf32, #tpu.memory_space<vmem>>, %arg9: memref<256x512xf32, #tpu.memory_space<vmem>>, %arg10: memref<1x512xf32, #tpu.memory_space<vmem>>, %arg11: memref<512x768xf32, #tpu.memory_space<vmem>>, %arg12: memref<1x768xf32, #tpu.memory_space<vmem>>, %arg13: memref<16x768xf32, #tpu.memory_space<vmem>>) attributes {dimension_semantics = [#tpu.dimension_semantics<arbitrary>], iteration_bounds = array<i64: 128>, scalar_prefetch = 0 : i64, scratch_operands = 0 : i64, tpu.core_type = #tpu.core_type<tc>, window_params = [{transform_indices = @transform_0, window_bounds = array<i64: 512, 16>}, {transform_indices = @transform_1, window_bounds = array<i64: 16, 4>}, {pipeline_mode = #tpu.pipeline_mode<synchronous>, transform_indices = @transform_2, window_bounds = array<i64: 16, 128>}, {pipeline_mode = #tpu.pipeline_mode<synchronous>, transform_indices = @transform_3, window_bounds = array<i64: 4, 128>}, {pipeline_mode = #tpu.pipeline_mode<synchronous>, transform_indices = @transform_4, window_bounds = array<i64: 1, 128>}, {pipeline_mode = #tpu.pipeline_mode<synchronous>, transform_indices = @transform_5, window_bounds = array<i64: 128, 256>}, {pipeline_mode = #tpu.pipeline_mode<synchronous>, transform_indices = @transform_6, window_bounds = array<i64: 1, 256>}, {pipeline_mode = #tpu.pipeline_mode<synchronous>, transform_indices = @transform_7, window_bounds = array<i64: 256, 512>}, {pipeline_mode = #tpu.pipeline_mode<synchronous>, transform_indices = @transform_8, window_bounds = array<i64: 256, 512>}, {pipeline_mode = #tpu.pipeline_mode<synchronous>, transform_indices = @transform_9, window_bounds = array<i64: 1, 512>}, {pipeline_mode = #tpu.pipeline_mode<synchronous>, transform_indices = @transform_10, window_bounds = array<i64: 512, 768>}, {pipeline_mode = #tpu.pipeline_mode<synchronous>, transform_indices = @transform_11, window_bounds = array<i64: 1, 768>}, {transform_indices = @transform_12, window_bounds = array<i64: 16, 768>}]} {
    %get3A = arith.constant 0 : index
    %get3A_0 = arith.constant 0 : index
    %get3A_1 = vector.load %arg1[%get3A, %get3A_0] : memref<512x16xf32, #tpu.memory_space<vmem>>, vector<512x16xf32>
    %get3A_2 = arith.constant 0 : index
    %get3A_3 = arith.constant 0 : index
    %get3A_4 = vector.load %arg2[%get3A_2, %get3A_3] : memref<16x4xf32, #tpu.memory_space<vmem>>, vector<16x4xf32>
    %get3A_5 = arith.constant 0 : index
    %get3A_6 = arith.constant 0 : index
    %get3A_7 = vector.load %arg4[%get3A_5, %get3A_6] : memref<4x128xf32, #tpu.memory_space<vmem>>, vector<4x128xf32>
    %dot_general3A = arith.constant dense<0.000000e+00> : vector<16x128xf32>
    %dot_general3A_8 = tpu.matmul %get3A_4, %get3A_7, %dot_general3A {dimension_numbers = #tpu.dot_dimension_numbers<[1], [0], [0], [1], [0, 0, 1, 1], [], []>, transpose_lhs_hint = false} : vector<16x4xf32>, vector<4x128xf32>, vector<16x128xf32> -> vector<16x128xf32>
    %get3A_9 = arith.constant 0 : index
    %get3A_10 = arith.constant 0 : index
    %get3A_11 = vector.load %arg3[%get3A_9, %get3A_10] : memref<16x128xf32, #tpu.memory_space<vmem>>, vector<16x128xf32>
    %dot_general3A_12 = arith.constant dense<0.000000e+00> : vector<512x128xf32>
    %dot_general3A_13 = tpu.matmul %get3A_1, %get3A_11, %dot_general3A_12 {dimension_numbers = #tpu.dot_dimension_numbers<[1], [0], [0], [1], [0, 0, 1, 1], [], []>, transpose_lhs_hint = false} : vector<512x16xf32>, vector<16x128xf32>, vector<512x128xf32> -> vector<512x128xf32>
    %reshape3A = vector.shape_cast %dot_general3A_13 : vector<512x128xf32> to vector<16x32x128xf32>
    %broadcast_in_dim3A = vector.shape_cast %dot_general3A_8 : vector<16x128xf32> to vector<16x1x128xf32>
    %add3A = vector.broadcast %broadcast_in_dim3A : vector<16x1x128xf32> to vector<16x32x128xf32>
    %add3A_14 = arith.addf %reshape3A, %add3A : vector<16x32x128xf32>
    %get3A_15 = arith.constant 0 : index
    %get3A_16 = arith.constant 0 : index
    %get3A_17 = vector.load %arg5[%get3A_15, %get3A_16] : memref<1x128xf32, #tpu.memory_space<vmem>>, vector<1x128xf32>
    %broadcast_in_dim3A_18 = vector.shape_cast %get3A_17 : vector<1x128xf32> to vector<1x1x128xf32>
    %add3A_19 = vector.broadcast %broadcast_in_dim3A_18 : vector<1x1x128xf32> to vector<16x32x128xf32>
    %add3A_20 = arith.addf %add3A_14, %add3A_19 : vector<16x32x128xf32>
    %max3A = arith.constant 0.000000e+00 : f32
    %max3A_21 = vector.broadcast %max3A : f32 to vector<16x32x128xf32>
    %max3A_22 = arith.maximumf %add3A_20, %max3A_21 : vector<16x32x128xf32>
    %reshape3A_23 = vector.shape_cast %max3A_22 : vector<16x32x128xf32> to vector<512x128xf32>
    %get3A_24 = arith.constant 0 : index
    %get3A_25 = arith.constant 0 : index
    %get3A_26 = vector.load %arg6[%get3A_24, %get3A_25] : memref<128x256xf32, #tpu.memory_space<vmem>>, vector<128x256xf32>
    %dot_general3A_27 = arith.constant dense<0.000000e+00> : vector<512x256xf32>
    %dot_general3A_28 = tpu.matmul %reshape3A_23, %get3A_26, %dot_general3A_27 {dimension_numbers = #tpu.dot_dimension_numbers<[1], [0], [0], [1], [0, 0, 1, 1], [], []>, transpose_lhs_hint = false} : vector<512x128xf32>, vector<128x256xf32>, vector<512x256xf32> -> vector<512x256xf32>
    %get3A_29 = arith.constant 0 : index
    %get3A_30 = arith.constant 0 : index
    %get3A_31 = vector.load %arg7[%get3A_29, %get3A_30] : memref<1x256xf32, #tpu.memory_space<vmem>>, vector<1x256xf32>
    %add3A_32 = vector.broadcast %get3A_31 : vector<1x256xf32> to vector<512x256xf32>
    %add3A_33 = arith.addf %dot_general3A_28, %add3A_32 : vector<512x256xf32>
    %reshape3A_34 = vector.shape_cast %add3A_33 : vector<512x256xf32> to vector<16x32x256xf32>
    %reduce_max3A = arith.constant dense<0xFF800000> : vector<16x256xf32>
    %reduce_max3A_35 = vector.multi_reduction <maximumf>, %reshape3A_34, %reduce_max3A [1] : vector<16x32x256xf32> to vector<16x256xf32>
    %get3A_36 = arith.constant 0 : index
    %get3A_37 = arith.constant 0 : index
    %get3A_38 = vector.load %arg8[%get3A_36, %get3A_37] : memref<256x512xf32, #tpu.memory_space<vmem>>, vector<256x512xf32>
    %dot_general3A_39 = arith.constant dense<0.000000e+00> : vector<16x512xf32>
    %dot_general3A_40 = tpu.matmul %reduce_max3A_35, %get3A_38, %dot_general3A_39 {dimension_numbers = #tpu.dot_dimension_numbers<[1], [0], [0], [1], [0, 0, 1, 1], [], []>, transpose_lhs_hint = false} : vector<16x256xf32>, vector<256x512xf32>, vector<16x512xf32> -> vector<16x512xf32>
    %get3A_41 = arith.constant 0 : index
    %get3A_42 = arith.constant 0 : index
    %get3A_43 = vector.load %arg9[%get3A_41, %get3A_42] : memref<256x512xf32, #tpu.memory_space<vmem>>, vector<256x512xf32>
    %dot_general3A_44 = arith.constant dense<0.000000e+00> : vector<512x512xf32>
    %dot_general3A_45 = tpu.matmul %add3A_33, %get3A_43, %dot_general3A_44 {dimension_numbers = #tpu.dot_dimension_numbers<[1], [0], [0], [1], [0, 0, 1, 1], [], []>, transpose_lhs_hint = false} : vector<512x256xf32>, vector<256x512xf32>, vector<512x512xf32> -> vector<512x512xf32>
    %reshape3A_46 = vector.shape_cast %dot_general3A_45 : vector<512x512xf32> to vector<16x32x512xf32>
    %broadcast_in_dim3A_47 = vector.shape_cast %dot_general3A_40 : vector<16x512xf32> to vector<16x1x512xf32>
    %add3A_48 = vector.broadcast %broadcast_in_dim3A_47 : vector<16x1x512xf32> to vector<16x32x512xf32>
    %add3A_49 = arith.addf %reshape3A_46, %add3A_48 : vector<16x32x512xf32>
    %get3A_50 = arith.constant 0 : index
    %get3A_51 = arith.constant 0 : index
    %get3A_52 = vector.load %arg10[%get3A_50, %get3A_51] : memref<1x512xf32, #tpu.memory_space<vmem>>, vector<1x512xf32>
    %broadcast_in_dim3A_53 = vector.shape_cast %get3A_52 : vector<1x512xf32> to vector<1x1x512xf32>
    %add3A_54 = vector.broadcast %broadcast_in_dim3A_53 : vector<1x1x512xf32> to vector<16x32x512xf32>
    %add3A_55 = arith.addf %add3A_49, %add3A_54 : vector<16x32x512xf32>
    %max3A_56 = arith.constant 0.000000e+00 : f32
    %max3A_57 = vector.broadcast %max3A_56 : f32 to vector<16x32x512xf32>
    %max3A_58 = arith.maximumf %add3A_55, %max3A_57 : vector<16x32x512xf32>
    %reshape3A_59 = vector.shape_cast %max3A_58 : vector<16x32x512xf32> to vector<512x512xf32>
    %get3A_60 = arith.constant 0 : index
    %get3A_61 = arith.constant 0 : index
    %get3A_62 = vector.load %arg11[%get3A_60, %get3A_61] : memref<512x768xf32, #tpu.memory_space<vmem>>, vector<512x768xf32>
    %dot_general3A_63 = arith.constant dense<0.000000e+00> : vector<512x768xf32>
    %dot_general3A_64 = tpu.matmul %reshape3A_59, %get3A_62, %dot_general3A_63 {dimension_numbers = #tpu.dot_dimension_numbers<[1], [0], [0], [1], [0, 0, 1, 1], [], []>, transpose_lhs_hint = false} : vector<512x512xf32>, vector<512x768xf32>, vector<512x768xf32> -> vector<512x768xf32>
    %get3A_65 = arith.constant 0 : index
    %get3A_66 = arith.constant 0 : index
    %get3A_67 = vector.load %arg12[%get3A_65, %get3A_66] : memref<1x768xf32, #tpu.memory_space<vmem>>, vector<1x768xf32>
    %add3A_68 = vector.broadcast %get3A_67 : vector<1x768xf32> to vector<512x768xf32>
    %add3A_69 = arith.addf %dot_general3A_64, %add3A_68 : vector<512x768xf32>
    %reshape3A_70 = vector.shape_cast %add3A_69 : vector<512x768xf32> to vector<16x32x768xf32>
    %reduce_max3A_71 = arith.constant dense<0xFF800000> : vector<16x768xf32>
    %reduce_max3A_72 = vector.multi_reduction <maximumf>, %reshape3A_70, %reduce_max3A_71 [1] : vector<16x32x768xf32> to vector<16x768xf32>
    %swap3A = arith.constant 0 : index
    %swap3A_73 = arith.constant 0 : index
    %swap3A_74 = vector.load %arg13[%swap3A, %swap3A_73] : memref<16x768xf32, #tpu.memory_space<vmem>>, vector<16x768xf32>
    tpu.vector_store %arg13[%swap3A, %swap3A_73], %reduce_max3A_72 {strides = array<i32>} : memref<16x768xf32, #tpu.memory_space<vmem>>, vector<16x768xf32>,
    return
  }
  func.func @transform_0(%arg0: i32) -> (i32, i32) {
    %c0_i32 = arith.constant 0 : i32
    %c0_i32_0 = arith.constant 0 : i32
    return %arg0, %c0_i32 : i32, i32
  }
  func.func @transform_1(%arg0: i32) -> (i32, i32) {
    %c0_i32 = arith.constant 0 : i32
    %c0_i32_0 = arith.constant 0 : i32
    return %arg0, %c0_i32 : i32, i32
  }
  func.func @transform_2(%arg0: i32) -> (i32, i32) {
    %c0_i32 = arith.constant 0 : i32
    %c0_i32_0 = arith.constant 0 : i32
    %c0_i32_1 = arith.constant 0 : i32
    return %c0_i32, %c0_i32_0 : i32, i32
  }
  func.func @transform_3(%arg0: i32) -> (i32, i32) {
    %c0_i32 = arith.constant 0 : i32
    %c0_i32_0 = arith.constant 0 : i32
    %c0_i32_1 = arith.constant 0 : i32
    return %c0_i32, %c0_i32_0 : i32, i32
  }
  func.func @transform_4(%arg0: i32) -> (i32, i32) {
    %c0_i32 = arith.constant 0 : i32
    %c0_i32_0 = arith.constant 0 : i32
    %c0_i32_1 = arith.constant 0 : i32
    return %c0_i32, %c0_i32_0 : i32, i32
  }
  func.func @transform_5(%arg0: i32) -> (i32, i32) {
    %c0_i32 = arith.constant 0 : i32
    %c0_i32_0 = arith.constant 0 : i32
    %c0_i32_1 = arith.constant 0 : i32
    return %c0_i32, %c0_i32_0 : i32, i32
  }
  func.func @transform_6(%arg0: i32) -> (i32, i32) {
    %c0_i32 = arith.constant 0 : i32
    %c0_i32_0 = arith.constant 0 : i32
    %c0_i32_1 = arith.constant 0 : i32
    return %c0_i32, %c0_i32_0 : i32, i32
  }
  func.func @transform_7(%arg0: i32) -> (i32, i32) {
    %c0_i32 = arith.constant 0 : i32
    %c0_i32_0 = arith.constant 0 : i32
    %c0_i32_1 = arith.constant 0 : i32
    return %c0_i32, %c0_i32_0 : i32, i32
  }
  func.func @transform_8(%arg0: i32) -> (i32, i32) {
    %c0_i32 = arith.constant 0 : i32
    %c0_i32_0 = arith.constant 0 : i32
    %c0_i32_1 = arith.constant 0 : i32
    return %c0_i32, %c0_i32_0 : i32, i32
  }
  func.func @transform_9(%arg0: i32) -> (i32, i32) {
    %c0_i32 = arith.constant 0 : i32
    %c0_i32_0 = arith.constant 0 : i32
    %c0_i32_1 = arith.constant 0 : i32
    return %c0_i32, %c0_i32_0 : i32, i32
  }
  func.func @transform_10(%arg0: i32) -> (i32, i32) {
    %c0_i32 = arith.constant 0 : i32
    %c0_i32_0 = arith.constant 0 : i32
    %c0_i32_1 = arith.constant 0 : i32
    return %c0_i32, %c0_i32_0 : i32, i32
  }
  func.func @transform_11(%arg0: i32) -> (i32, i32) {
    %c0_i32 = arith.constant 0 : i32
    %c0_i32_0 = arith.constant 0 : i32
    %c0_i32_1 = arith.constant 0 : i32
    return %c0_i32, %c0_i32_0 : i32, i32
  }
  func.func @transform_12(%arg0: i32) -> (i32, i32) {
    %c0_i32 = arith.constant 0 : i32
    %c0_i32_0 = arith.constant 0 : i32
    return %arg0, %c0_i32 : i32, i32
  }
}

module attributes {stable_mosaic.version = 14 : i64} {
  func.func @_pos_body(%arg0: i32, %arg1: memref<1x513x4xf32, #tpu.memory_space<vmem>>, %arg2: memref<1x512x768xf32, #tpu.memory_space<vmem>>, %arg3: memref<1x768xf32, #tpu.memory_space<vmem>>, %arg4: memref<1x768xf32, #tpu.memory_space<vmem>>, %arg5: memref<4x768xf32, #tpu.memory_space<vmem>>, %arg6: memref<1x768xf32, #tpu.memory_space<vmem>>, %arg7: memref<768x768xf32, #tpu.memory_space<vmem>>, %arg8: memref<1x768xf32, #tpu.memory_space<vmem>>, %arg9: memref<1x513x768xf32, #tpu.memory_space<vmem>>) attributes {dimension_semantics = [#tpu.dimension_semantics<arbitrary>], iteration_bounds = array<i64: 4>, scalar_prefetch = 0 : i64, scratch_operands = 0 : i64, tpu.core_type = #tpu.core_type<tc>, window_params = [{transform_indices = @transform_0, window_bounds = array<i64: 1, 513, 4>}, {transform_indices = @transform_1, window_bounds = array<i64: 1, 512, 768>}, {pipeline_mode = #tpu.pipeline_mode<synchronous>, transform_indices = @transform_2, window_bounds = array<i64: 1, 768>}, {pipeline_mode = #tpu.pipeline_mode<synchronous>, transform_indices = @transform_3, window_bounds = array<i64: 1, 768>}, {pipeline_mode = #tpu.pipeline_mode<synchronous>, transform_indices = @transform_4, window_bounds = array<i64: 4, 768>}, {pipeline_mode = #tpu.pipeline_mode<synchronous>, transform_indices = @transform_5, window_bounds = array<i64: 1, 768>}, {pipeline_mode = #tpu.pipeline_mode<synchronous>, transform_indices = @transform_6, window_bounds = array<i64: 768, 768>}, {pipeline_mode = #tpu.pipeline_mode<synchronous>, transform_indices = @transform_7, window_bounds = array<i64: 1, 768>}, {transform_indices = @transform_8, window_bounds = array<i64: 1, 513, 768>}]} {
    %get3A = arith.constant 0 : index
    %get3A_0 = arith.constant 0 : index
    %get3A_1 = arith.constant 0 : index
    %get3A_2 = vector.load %arg1[%get3A, %get3A_0, %get3A_1] : memref<1x513x4xf32, #tpu.memory_space<vmem>>, vector<1x513x4xf32>
    %get3A_3 = vector.shape_cast %get3A_2 : vector<1x513x4xf32> to vector<513x4xf32>
    %get3A_4 = arith.constant 0 : index
    %get3A_5 = arith.constant 0 : index
    %get3A_6 = vector.load %arg5[%get3A_4, %get3A_5] : memref<4x768xf32, #tpu.memory_space<vmem>>, vector<4x768xf32>
    %dot_general3A = arith.constant dense<0.000000e+00> : vector<513x768xf32>
    %dot_general3A_7 = tpu.matmul %get3A_3, %get3A_6, %dot_general3A {dimension_numbers = #tpu.dot_dimension_numbers<[1], [0], [0], [1], [0, 0, 1, 1], [], []>, transpose_lhs_hint = false} : vector<513x4xf32>, vector<4x768xf32>, vector<513x768xf32> -> vector<513x768xf32>
    %get3A_8 = arith.constant 0 : index
    %get3A_9 = arith.constant 0 : index
    %get3A_10 = vector.load %arg6[%get3A_8, %get3A_9] : memref<1x768xf32, #tpu.memory_space<vmem>>, vector<1x768xf32>
    %add3A = vector.broadcast %get3A_10 : vector<1x768xf32> to vector<513x768xf32>
    %add3A_11 = arith.addf %dot_general3A_7, %add3A : vector<513x768xf32>
    %mul3A = arith.constant 5.000000e-01 : f32
    %mul3A_12 = vector.broadcast %mul3A : f32 to vector<513x768xf32>
    %mul3A_13 = arith.mulf %add3A_11, %mul3A_12 : vector<513x768xf32>
    %mul3A_14 = arith.constant 0.707106769 : f32
    %mul3A_15 = vector.broadcast %mul3A_14 : f32 to vector<513x768xf32>
    %mul3A_16 = arith.mulf %add3A_11, %mul3A_15 : vector<513x768xf32>
    %erf3A = math.erf %mul3A_16 : vector<513x768xf32>
    %add3A_17 = arith.constant 1.000000e+00 : f32
    %add3A_18 = vector.broadcast %add3A_17 : f32 to vector<513x768xf32>
    %add3A_19 = arith.addf %add3A_18, %erf3A : vector<513x768xf32>
    %mul3A_20 = arith.mulf %mul3A_13, %add3A_19 : vector<513x768xf32>
    %get3A_21 = arith.constant 0 : index
    %get3A_22 = arith.constant 0 : index
    %get3A_23 = vector.load %arg7[%get3A_21, %get3A_22] : memref<768x768xf32, #tpu.memory_space<vmem>>, vector<768x768xf32>
    %dot_general3A_24 = arith.constant dense<0.000000e+00> : vector<513x768xf32>
    %dot_general3A_25 = tpu.matmul %mul3A_20, %get3A_23, %dot_general3A_24 {dimension_numbers = #tpu.dot_dimension_numbers<[1], [0], [0], [1], [0, 0, 1, 1], [], []>, transpose_lhs_hint = false} : vector<513x768xf32>, vector<768x768xf32>, vector<513x768xf32> -> vector<513x768xf32>
    %get3A_26 = arith.constant 0 : index
    %get3A_27 = arith.constant 0 : index
    %get3A_28 = vector.load %arg8[%get3A_26, %get3A_27] : memref<1x768xf32, #tpu.memory_space<vmem>>, vector<1x768xf32>
    %add3A_29 = vector.broadcast %get3A_28 : vector<1x768xf32> to vector<513x768xf32>
    %add3A_30 = arith.addf %dot_general3A_25, %add3A_29 : vector<513x768xf32>
    %get3A_31 = arith.constant 0 : index
    %get3A_32 = arith.constant 0 : index
    %get3A_33 = vector.load %arg4[%get3A_31, %get3A_32] : memref<1x768xf32, #tpu.memory_space<vmem>>, vector<1x768xf32>
    %get3A_34 = arith.constant 0 : index
    %get3A_35 = arith.constant 0 : index
    %get3A_36 = vector.load %arg3[%get3A_34, %get3A_35] : memref<1x768xf32, #tpu.memory_space<vmem>>, vector<1x768xf32>
    %slice3A = vector.extract_strided_slice %add3A_30 {offsets = [0, 0], sizes = [1, 768], strides = [1, 1]} : vector<513x768xf32> to vector<1x768xf32>
    %add3A_37 = arith.addf %get3A_36, %slice3A : vector<1x768xf32>
    %add3A_38 = arith.addf %add3A_37, %get3A_33 : vector<1x768xf32>
    %swap3A = arith.constant 0 : index
    %swap3A_39 = arith.constant 0 : index
    %swap3A_40 = arith.constant 0 : index
    %swap3A_41 = vector.load %arg9[%swap3A, %swap3A_39, %swap3A_40] : memref<1x513x768xf32, #tpu.memory_space<vmem>>, vector<1x1x768xf32>
    %swap3A_42 = vector.shape_cast %swap3A_41 : vector<1x1x768xf32> to vector<1x768xf32>
    %swap3A_43 = vector.shape_cast %add3A_38 : vector<1x768xf32> to vector<1x1x768xf32>
    tpu.vector_store %arg9[%swap3A, %swap3A_39, %swap3A_40], %swap3A_43 {strides = array<i32>} : memref<1x513x768xf32, #tpu.memory_space<vmem>>, vector<1x1x768xf32>,
    %get3A_44 = arith.constant 0 : index
    %get3A_45 = arith.constant 0 : index
    %get3A_46 = arith.constant 0 : index
    %get3A_47 = vector.load %arg2[%get3A_44, %get3A_45, %get3A_46] : memref<1x512x768xf32, #tpu.memory_space<vmem>>, vector<1x512x768xf32>
    %get3A_48 = vector.shape_cast %get3A_47 : vector<1x512x768xf32> to vector<512x768xf32>
    %slice3A_49 = vector.extract_strided_slice %add3A_30 {offsets = [1, 0], sizes = [512, 768], strides = [1, 1]} : vector<513x768xf32> to vector<512x768xf32>
    %add3A_50 = arith.addf %get3A_48, %slice3A_49 : vector<512x768xf32>
    %add3A_51 = vector.broadcast %get3A_33 : vector<1x768xf32> to vector<512x768xf32>
    %add3A_52 = arith.addf %add3A_50, %add3A_51 : vector<512x768xf32>
    %swap3A_53 = arith.constant 0 : index
    %swap3A_54 = arith.constant 1 : index
    %swap3A_55 = arith.constant 0 : index
    %swap3A_56 = vector.load %arg9[%swap3A_53, %swap3A_54, %swap3A_55] : memref<1x513x768xf32, #tpu.memory_space<vmem>>, vector<1x512x768xf32>
    %swap3A_57 = vector.shape_cast %swap3A_56 : vector<1x512x768xf32> to vector<512x768xf32>
    %swap3A_58 = vector.shape_cast %add3A_52 : vector<512x768xf32> to vector<1x512x768xf32>
    tpu.vector_store %arg9[%swap3A_53, %swap3A_54, %swap3A_55], %swap3A_58 {strides = array<i32>} : memref<1x513x768xf32, #tpu.memory_space<vmem>>, vector<1x512x768xf32>,
    return
  }
  func.func @transform_0(%arg0: i32) -> (i32, i32, i32) {
    %c0_i32 = arith.constant 0 : i32
    %c0_i32_0 = arith.constant 0 : i32
    %c0_i32_1 = arith.constant 0 : i32
    return %arg0, %c0_i32, %c0_i32_0 : i32, i32, i32
  }
  func.func @transform_1(%arg0: i32) -> (i32, i32, i32) {
    %c0_i32 = arith.constant 0 : i32
    %c0_i32_0 = arith.constant 0 : i32
    %c0_i32_1 = arith.constant 0 : i32
    return %arg0, %c0_i32, %c0_i32_0 : i32, i32, i32
  }
  func.func @transform_2(%arg0: i32) -> (i32, i32) {
    %c0_i32 = arith.constant 0 : i32
    %c0_i32_0 = arith.constant 0 : i32
    %c0_i32_1 = arith.constant 0 : i32
    return %c0_i32, %c0_i32_0 : i32, i32
  }
  func.func @transform_3(%arg0: i32) -> (i32, i32) {
    %c0_i32 = arith.constant 0 : i32
    %c0_i32_0 = arith.constant 0 : i32
    %c0_i32_1 = arith.constant 0 : i32
    return %c0_i32, %c0_i32_0 : i32, i32
  }
  func.func @transform_4(%arg0: i32) -> (i32, i32) {
    %c0_i32 = arith.constant 0 : i32
    %c0_i32_0 = arith.constant 0 : i32
    %c0_i32_1 = arith.constant 0 : i32
    return %c0_i32, %c0_i32_0 : i32, i32
  }
  func.func @transform_5(%arg0: i32) -> (i32, i32) {
    %c0_i32 = arith.constant 0 : i32
    %c0_i32_0 = arith.constant 0 : i32
    %c0_i32_1 = arith.constant 0 : i32
    return %c0_i32, %c0_i32_0 : i32, i32
  }
  func.func @transform_6(%arg0: i32) -> (i32, i32) {
    %c0_i32 = arith.constant 0 : i32
    %c0_i32_0 = arith.constant 0 : i32
    %c0_i32_1 = arith.constant 0 : i32
    return %c0_i32, %c0_i32_0 : i32, i32
  }
  func.func @transform_7(%arg0: i32) -> (i32, i32) {
    %c0_i32 = arith.constant 0 : i32
    %c0_i32_0 = arith.constant 0 : i32
    %c0_i32_1 = arith.constant 0 : i32
    return %c0_i32, %c0_i32_0 : i32, i32
  }
  func.func @transform_8(%arg0: i32) -> (i32, i32, i32) {
    %c0_i32 = arith.constant 0 : i32
    %c0_i32_0 = arith.constant 0 : i32
    %c0_i32_1 = arith.constant 0 : i32
    return %arg0, %c0_i32, %c0_i32_0 : i32, i32, i32
  }
}

</mosaic_0001>

<sc_bundles>
// kernel: kernel.7.cloned.1.call-start
scs
__scs_entry_jumppad:
0x0: {  	(pc) =	sbr.rel $0x88, $3  }
0x1: {  	(tag) =	ssettag $0x0;
	lr =	simm.s32 $0x1  }
0x2: {  	[smem:$0x3F92] =	sst lr;
	_ =	strace $0xD0000000  }
0x3: {  	_ = 	snop  }
0x4: {  	_ = 	snop  }
0x5: {  	_ = 	snop  }
0x6: {  	_ = 	snop  }
0x7: {  	_ = 	snop  }
__scs_overlays_trampoline_lowered:
0x8: {  	[smem:$0x3FA1] =	sst s0  }
0x9: {  	[smem:$0x3FA2] =	sst s1  }
0xa: {  	[smem:$0x3FA3] =	sst s2  }
0xb: {  	[smem:$0x3FA4] =	sst s3  }
0xc: {  	[smem:$0x3FA5] =	sst s4  }
0xd: {  	[smem:$0x3FA6] =	sst s5  }
0xe: {  	[smem:$0x3FA7] =	sst s6  }
0xf: {  	[smem:$0x3FA8] =	sst s7  }
0x10: {  	[smem:$0x3FA9] =	sst s8  }
0x11: {  	[smem:$0x3FAA] =	sst s9;
	s0 =	simm.s32 @!p0 $0x0  }
0x12: {  	s1 =	sld [smem:$0x3F90];
	s0 =	simm.s32 @p0 $0x1  }
0x13: {  	[smem:$0x3FAB] =	sst s0;
	s0 =	simm.s32 @!p1 $0x0  }
0x14: {  	s2 =	sld [smem:$0x3F8F];
	s0 =	simm.s32 @p1 $0x1  }
0x15: {  	[smem:$0x3FAC] =	sst s0;
	s0 =	simm.s32 @!p2 $0x0  }
0x16: {  	s3 =	sld [smem:$0x3FDB];
	s0 =	simm.s32 @p2 $0x1  }
0x17: {  	s4 =	simm.s32 $0x1BF5;
	[smem:$0x3FAE] =	sst s0  }
0x18: {  	s0 =	sld [smem:$0x3F91];
	_ =	swait.ge [sflag:s4], $0x0  }
0x19: {  	s7 =	sld [smem:$0x3F92]  }
0x1a: {  	s8 =	sadd.s32 $0xFFFFE003, lr  }
0x1b: {  	s9 =	sadd.s32 $0xFFFFFEF7, lr;
	s5 =	simm.s32 $0xFFFFFFFF;
	p2 =	slt.u32 s8, $0xFFFFF086  }
0x1c: {  	p1 =	slt.u32 s9, $0xF7A;
	s5 =	simm.s32 @!p2 $0x0  }
0x1d: {  	s5 =	simm.s32 @p1 $0x1;
	p0 =	seq.s32 s7, s2  }
0x1e: {  	s7 =	smul.u32 @!p0 $0xF7A, s2;
	p2 =	seq.s32 @!p0 s5, $0x0  }
0x1f: {  	s9 =	smul.u32 $0xF7A, s1;
	s8 =	simm.s32 @!p0 $0x1BF5;
	p2 =	por !p2, p0  }
0x20: {  	[sflag:s8] =	ssyncset.s32 @!p0 $0xFFFFF086;
	s6 =	sadd.s32 @!p0 s3, s7;
	s7 =	simm.s32 @!p0 $0x108  }
0x21: {  	s3 =	sadd.s32 s3, s9;
	s6 =	sadd.s32 @!p0 $0x88, s6;
	s7 =	simm.s32 @p2 $0x1082  }
0x22: {  	[simem:s7], [sflag:s8] =	dma.local @!p0 [hbm:s6], $0xF7A  }
0x23: {  	s9 =	sor.u32 $0xD0000000, s2;
	s6 =	simm.s32 $0x108;
	_ =	swait.ge @!p0 [sflag:s8], $0x0  }
0x24: {  	s3 =	sadd.s32 $0x88, s3;
	s6 =	simm.s32 @!p1 $0x1082;
	[sflag:s4] =	ssyncset.s32 $0xFFFFF086  }
0x25: {  	[simem:s6], [sflag:s4] =	dma.local [hbm:s3], $0xF7A  }
0x26: {  	[smem:$0x3F92] =	sst s1;
	(tag) =	ssettag s2;
	_ =	strace s9  }
0x27: {  	s1 =	sld [smem:$0x3FA2]  }
0x28: {  	s2 =	sld [smem:$0x3FA3]  }
0x29: {  	s4 =	sld [smem:$0x3FA5]  }
0x2a: {  	p0 =	seq.s32 s5, $0x0;
	s5 =	sld [smem:$0x3FA6]  }
0x2b: {  	s6 =	sld [smem:$0x3FA7]  }
0x2c: {  	s7 =	sld [smem:$0x3FA8]  }
0x2d: {  	s3 =	simm.s32 $0x108;
	s8 =	sld [smem:$0x3FA9]  }
0x2e: {  	s3 =	simm.s32 @!p0 $0x1082;
	s9 =	sld [smem:$0x3FAA]  }
0x2f: {  	lr =	sadd.s32 s0, s3;
	s0 =	sld [smem:$0x3FA1]  }
0x30: {  	s3 =	sld [smem:$0x3FA4]  }
0x31: {  	[smem:$0x3FAD] =	sst s10  }
0x32: {  	s10 =	sld [smem:$0x3FAB];
	_ =	sdelay $0x3  }
0x33: {  	p0 =	seq.s32 s10, $0x1;
	s10 =	sld [smem:$0x3FAD];
	_ =	sdelay $0x3  }
0x34: {  	[smem:$0x3FAD] =	sst s10  }
0x35: {  	s10 =	sld [smem:$0x3FAC];
	_ =	sdelay $0x3  }
0x36: {  	p1 =	seq.s32 s10, $0x1;
	s10 =	sld [smem:$0x3FAD];
	_ =	sdelay $0x3  }
0x37: {  	[smem:$0x3FAD] =	sst s10  }
0x38: {  	s10 =	sld [smem:$0x3FAE]  }
0x39: {  	_ = 	snop;
	(pc) =	sbr.ind lr, $3  }
0x3a: {  	_ = 	snop  }
0x3b: {  	_ = 	snop  }
0x3c: {  	p2 =	seq.s32 s10, $0x1;
	s10 =	sld [smem:$0x3FAD]  }
0x3d: {  	_ =	shalt  }
0x3e: {  	_ =	shalt  }
0x3f: {  	_ =	shalt  }
0x40: {  	_ =	shalt  }
0x41: {  	_ =	shalt  }
0x42: {  	_ =	shalt  }
0x43: {  	_ =	shalt  }
0x44: {  	_ =	shalt  }
0x45: {  	_ =	shalt  }
0x46: {  	_ =	shalt  }
0x47: {  	_ =	shalt  }
0x48: {  	_ =	shalt  }
0x49: {  	_ =	shalt  }
0x4a: {  	_ =	shalt  }
0x4b: {  	_ =	shalt  }
0x4c: {  	_ =	shalt  }
0x4d: {  	_ =	shalt  }
0x4e: {  	_ =	shalt  }
0x4f: {  	_ =	shalt  }
0x50: {  	_ =	shalt  }
0x51: {  	_ =	shalt  }
0x52: {  	_ =	shalt  }
0x53: {  	_ =	shalt  }
0x54: {  	_ =	shalt  }
0x55: {  	_ =	shalt  }
0x56: {  	_ =	shalt  }
0x57: {  	_ =	shalt  }
0x58: {  	_ =	shalt  }
0x59: {  	_ =	shalt  }
0x5a: {  	_ =	shalt  }
0x5b: {  	_ =	shalt  }
0x5c: {  	_ =	shalt  }
0x5d: {  	_ =	shalt  }
0x5e: {  	_ =	shalt  }
0x5f: {  	_ =	shalt  }
0x60: {  	_ =	shalt  }
0x61: {  	_ =	shalt  }
0x62: {  	_ =	shalt  }
0x63: {  	_ =	shalt  }
0x64: {  	_ =	shalt  }
0x65: {  	_ =	shalt  }
0x66: {  	_ =	shalt  }
0x67: {  	_ =	shalt  }
0x68: {  	_ =	shalt  }
0x69: {  	_ =	shalt  }
0x6a: {  	_ =	shalt  }
0x6b: {  	_ =	shalt  }
0x6c: {  	_ =	shalt  }
0x6d: {  	_ =	shalt  }
0x6e: {  	_ =	shalt  }
0x6f: {  	_ =	shalt  }
0x70: {  	_ =	shalt  }
0x71: {  	_ =	shalt  }
0x72: {  	_ =	shalt  }
0x73: {  	_ =	shalt  }
0x74: {  	_ =	shalt  }
0x75: {  	_ =	shalt  }
0x76: {  	_ =	shalt  }
0x77: {  	_ =	shalt  }
0x78: {  	_ =	shalt  }
0x79: {  	_ =	shalt  }
0x7a: {  	_ =	shalt  }
0x7b: {  	_ =	shalt  }
0x7c: {  	_ =	shalt  }
0x7d: {  	_ =	shalt  }
0x7e: {  	_ =	shalt  }
0x7f: {  	_ =	shalt  }
0x80: {  	_ =	shalt  }
0x81: {  	_ =	shalt  }
0x82: {  	_ =	shalt  }
0x83: {  	_ =	shalt  }
0x84: {  	_ =	shalt  }
0x85: {  	_ =	shalt  }
0x86: {  	_ =	shalt  }
0x87: {  	_ =	shalt  }
.Lfunc_end0:
.L_simem_size_0:
called_computation_lowered:
.L_overlay_start_0:
0x88: {  	s2 =	sld [smem:$0x3FD9]  }
0x89: {  	s3 =	sld [smem:$0x3FFE];
	_ =	sdelay $0x1  }
0x8a: {  	s1 =	srdreg.scid  }
0x8b: {  	s0 =	sand.u32 $0x1, s1  }
0x8c: {  	s17 =	sshll.u32 s0, $0xA;
	s2 =	sadd.s32 s3, s2  }
0x8d: {  	s2 =	sadd.s32 s2, s17  }
0x8e: {  	[smem:$0x3FB9] =	sst s2  }
0x8f: {  	_ = 	snop  }
0x90: {  	s2 =	sld [smem:$0x3FD0];
	(tm) =	ssettm $0x1  }
0x91: {  	s18 =	sld [smem:$0x3FFB];
	_ =	sdelay $0x3  }
0x92: {  	_ =	strace s18  }
0x93: {  	s3 =	sld [smem:$0x3FFC];
	_ =	sdelay $0x3  }
0x94: {  	_ =	strace s3  }
0x95: {  	s3 =	sld [smem:$0x3FFD];
	_ =	sdelay $0x3  }
0x96: {  	_ =	strace s3  }
0x97: {  	_ =	strace $0x8FFFFFFF  }
0x98: {  	s19 =	sld [smem:$0x3FDB];
	_ =	sdelay $0x1  }
0x99: {  	s4 =	simm.s32 $_scs_section_size  }
0x9a: {  	s5 =	simm.s32 $_size__tile_overlayer_lowered;
	s6 =	simm.s32 $_tile_overlayer_lowered  }
0x9b: {  	s22 =	simm.s32 $0x1BFF;
	s21 =	sshll.u32 s6, $0x1;
	s3 =	sadd.s32 s4, s19  }
0x9c: {  	s7 =	simm.s32 $0x0;
	s20 =	sshll.u32 s5, $0x1;
	s5 =	sadd.s32 s21, s3  }
0x9d: {  	[timem:s7], [sflag:s22] =	dma.local [hbm:s5], s20  }
0x9e: {  	_ =	swait.ge [sflag:s22], s20  }
0x9f: {  	s4 =	ssub.s32 $0x0, s20;
	[sflag:s22] =	ssyncset.done $0x0  }
0xa0: {  	[sflag:s22] =	ssyncadd.s32 s4;
	_ =	sdelay $0x1  }
0xa1: {  	s23 =	simm.s32 $0x1B8B  }
0xa2: {  	_ =	swait.ge [sflag:s23], $0x1  }
0xa3: {  	[sflag:s23] =	ssyncset.done $0x0  }
0xa4: {  	s25 =	simm.s32 $0x1B8E;
	s24 =	sld [smem:$0x3FFE];
	[sflag:s23] =	ssyncadd.s32 $0xFFFFFFFF  }
0xa5: {  	s26 =	simm.s32 $execute0_lowered;
	[smem:$0x3FD2] =	sst s25  }
0xa6: {  	s5 =	sshll.u32 s26, $0x1;
	_ =	strace $0x80000046;
	[dreg:$0x1] =	wrdreg $0xFFFFFFFF  }
0xa7: {  	s28 =	simm.s32 $_size_execute0_lowered;
	s3 =	sadd.s32 s3, s5;
	[dreg:$0x0] =	wrdreg $0x0  }
0xa8: {  	s5 =	sshll.u32 s28, $0x1;
	[dreg:$0x2] =	wrdreg s3  }
0xa9: {  	[dreg:$0x3] =	wrdreg s5  }
0xaa: {  	[dreg:$0x4] =	wrdreg $0xC0  }
0xab: {  	_ =	task [dreg:s7], $0x5FFFF  }
0xac: {  	[dreg:$0x1] =	wrdreg $0xFFFFFFFF  }
0xad: {  	[dreg:$0x0] =	wrdreg $0x60  }
0xae: {  	[dreg:$0x2] =	wrdreg s24  }
0xaf: {  	[dreg:$0x3] =	wrdreg s2  }
0xb0: {  	[dreg:$0x4] =	wrdreg $0x9  }
0xb1: {  	_ =	task.clear_ibuf [dreg:s7], $0x5FFFF;
	_ =	strace $0x90000046  }
0xb2: {  	s29 =	simm.s32 $0x9;
	_ =	strace $0x80000048  }
0xb3: {  	_ =	swait.ge [sflag:s29], $0x1  }
0xb4: {  	[sflag:s29] =	ssyncadd.s32 $0xFFFFFFFF  }
0xb5: {  	_ =	strace $0x90000048  }
0xb6: {  	_ =	sfence  }
0xb7: {  	s30 =	sld [smem:$0x0];
	_ =	sdelay $0x2  }
0xb8: {  	s31 =	sshll.u32 s1, $0xD;
	s1 =	sshrl.u32 s1, $0x2  }
0xb9: {  	s3 =	sand.u32 $0x4000, s31;
	s1 =	sadd.s32 s1, s30  }
0xba: {  	s0 =	sor.u32 s3, s0;
	s1 =	sshll.u32 s1, $0x11  }
0xbb: {  	s0 =	sor.u32 s1, s0  }
0xbc: {  	s0 =	sadd.s32 $0x8F2B, s0  }
0xbd: {  	[sflag:s0] =	ssyncadd.remote.s32 $0x1  }
0xbe: {  	_ =	sfence.sel $0xFFFF  }
0xbf: {  	[dreg:$0x0] =	wrdreg $0xFFFFFFFF;
	(pc) =	sbr.abs _section_cstart, $3  }
0xc0: {  	[dreg:$0x1] =	wrdreg $0xFFFFFFFF  }
0xc1: {  	_ =	task.clear_ibuf [dreg:s7], $0x2FFFF;
	_ =	strace $0x9FFFFFFF  }
0xc2: {  	(tm) =	ssettm $0x7FFFFFFF  }
0xc3: {  	_ =	shalt  }
tec
execute0_lowered:
.L_overlay_start_1:
0x0: {  	(tag) =	ssettag $0x1  }
0x1: {  	s1 =	srdreg.scid  }
0x2: {  	s0 =	stileid.u32;
	s3 =	rddreg [dreg:$0x0]  }
0x3: {  	s5 =	rddreg [dreg:$0x1];
	s20 =	simm.s32 $0x1000;
	s21 =	simm.s32 $0x100  }
0x4: {  	s23 =	simm.s32 $0x1800;
	s24 =	simm.s32 $0x180;
	s25 =	simm.s32 $0x2000  }
0x5: {  	s26 =	simm.s32 $0x200;
	s7 =	simm.s32 $0x80;
	s11 =	simm.s32 $0x300  }
0x6: {  	s12 =	simm.s32 $0x3800;
	s13 =	simm.s32 $0x380;
	s14 =	simm.s32 $0x4000  }
0x7: {  	s15 =	simm.s32 $0x400;
	s16 =	simm.s32 $0x4800;
	s17 =	simm.s32 $0x480  }
0x8: {  	s18 =	simm.s32 $0x5000;
	s19 =	simm.s32 $0x500;
	s1 =	sand.u32 $0x1, s1  }
0x9: {  	p0 =	por $0x0, $0x0;
	s2 =	sshll.u32 s0, $0x5;
	s4 =	sshll.u32 s1, $0x4  }
0xa: {  	s28 =	simm.s32 $0x700;
	s4 =	sor.u32 s4, s2;
	s2 =	simm.s32 $0x0  }
0xb: {  	s29 =	simm.s32 $0x7800;
	s30 =	simm.s32 $0x780;
	[smem:$0x7FF] =	sst s2  }
0xc: {  	s1 =	ssub.s32 $0x2, s1;
	_ =	strace $0x80000047;
	[dreg:$0x5] =	wrdreg s20  }
0xd: {  	s31 =	simm.s32 $0x8000;
	s22 =	sshrl.u32 s1, $0x1;
	[dreg:$0x6] =	wrdreg s21  }
0xe: {  	s6 =	sshll.u32 s4, $0x4;
	s4 =	sshll.u32 s4, $0x8;
	[dreg:$0x7] =	wrdreg s23  }
0xf: {  	s1 =	ssub.s32 s1, s22;
	s22 =	simm.s32 $0x6000;
	[dreg:$0x8] =	wrdreg s24  }
0x10: {  	s6 =	sadd.s32 s6, s3;
	s1 =	smax.u32 s1, $0x1;
	[dreg:$0x9] =	wrdreg s25  }
0x11: {  	s4 =	sadd.s32 s5, s4;
	[dreg:$0xa] =	wrdreg s26;
	p1 =	sne.s32 s1, $0x1  }
.Ltmp0:
0x12: {  	s20 =	simm.s32 $0x5800;
	s21 =	simm.s32 $0x580;
	(pc) =	sbr.rel @!p1 .LBB2_3-.Ltmp0, $4  }
0x13: {  	s23 =	simm.s32 $0x600;
	s24 =	simm.s32 $0x6800;
	s25 =	simm.s32 $0x680  }
0x14: {  	s26 =	simm.s32 $0x7000;
	s5 =	simm.s32 $0x1;
	s6 =	sadd.s32 $0x2800, s6  }
0x15: {  	[dreg:$0x4] =	wrdreg s4;
	s4 =	simm.s32 $0x800;
	s8 =	sadd.s32 $0xFFFFFFFF, s1  }
0x16: {  	[dreg:$0x3] =	wrdreg s6;
	s6 =	sadd.s32 $0x84800, s3;
	s3 =	simm.s32 $0x2  }
0x17: {  	s0 =	rddreg [dreg:$0x3]  }
0x18: {  	[tilespmem:s2], [sflag:$0x2] =	stream.linear.gather [hbm4b:s0+s2], $0x800, $0x38;
	[tilespmem:$0x8800] =	vst v63  }
0x19: {  	_ =	swait.ge [sflag:s3], $0x800  }
0x1a: {  	s10 =	rddreg [dreg:$0x6]  }
0x1b: {  	s1 =	rddreg [dreg:$0x5]  }
0x1c: {  	s0 =	rddreg [dreg:$0x7]  }
0x1d: {  	[sflag:s3] =	ssyncset.done $0x0;
	[dreg:$0xb] =	wrdreg s10  }
0x1e: {  	[sflag:s3] =	ssyncadd.s32 $0xFFFFF800;
	s10 =	rddreg [dreg:$0x9]  }
0x1f: {  	[tilespmem:s4], [sflag:$0x1] =	stream.indirect.gather [hbm4b:s6+s7], $0x10, s2, s7, $0xb8;
	[tilespmem:$0x8800] =	vst v63  }
0x20: {  	[dreg:$0xc] =	wrdreg s10  }
0x21: {  	s10 =	rddreg [dreg:$0xb]  }
0x22: {  	[tilespmem:s1], [sflag:$0x1] =	stream.indirect.gather [hbm4b:s6+s7], $0x10, s7, s7, $0xb8;
	[tilespmem:$0x8800] =	vst v63  }
0x23: {  	s1 =	rddreg [dreg:$0x8]  }
0x24: {  	[tilespmem:s0], [sflag:$0x1] =	stream.indirect.gather [hbm4b:s6+s7], $0x10, s10, s7, $0xb8;
	[tilespmem:$0x8800] =	vst v63  }
0x25: {  	s10 =	rddreg [dreg:$0xc]  }
0x26: {  	[tilespmem:s10], [sflag:$0x1] =	stream.indirect.gather [hbm4b:s6+s7], $0x10, s1, s7, $0xb8;
	[tilespmem:$0x8800] =	vst v63  }
0x27: {  	s9 =	simm.s32 $0x2800;
	s0 =	rddreg [dreg:$0xa]  }
0x28: {  	[tilespmem:s9], [sflag:$0x1] =	stream.indirect.gather [hbm4b:s6+s7], $0x10, s0, s7, $0xb8;
	[tilespmem:$0x8800] =	vst v63  }
0x29: {  	s1 =	simm.s32 $0x280;
	s9 =	simm.s32 $0x3000  }
0x2a: {  	[tilespmem:s9], [sflag:$0x1] =	stream.indirect.gather [hbm4b:s6+s7], $0x10, s1, s7, $0xb8;
	[tilespmem:$0x8800] =	vst v63  }
0x2b: {  	_ = 	snop  }
0x2c: {  	[tilespmem:s12], [sflag:$0x1] =	stream.indirect.gather [hbm4b:s6+s7], $0x10, s11, s7, $0xb8;
	[tilespmem:$0x8800] =	vst v63  }
0x2d: {  	_ = 	snop  }
0x2e: {  	[tilespmem:s14], [sflag:$0x1] =	stream.indirect.gather [hbm4b:s6+s7], $0x10, s13, s7, $0xb8;
	[tilespmem:$0x8800] =	vst v63  }
0x2f: {  	_ = 	snop  }
0x30: {  	[tilespmem:s16], [sflag:$0x1] =	stream.indirect.gather [hbm4b:s6+s7], $0x10, s15, s7, $0xb8;
	[tilespmem:$0x8800] =	vst v63  }
0x31: {  	_ = 	snop  }
0x32: {  	[tilespmem:s18], [sflag:$0x1] =	stream.indirect.gather [hbm4b:s6+s7], $0x10, s17, s7, $0xb8;
	[tilespmem:$0x8800] =	vst v63  }
0x33: {  	_ = 	snop  }
0x34: {  	[tilespmem:s20], [sflag:$0x1] =	stream.indirect.gather [hbm4b:s6+s7], $0x10, s19, s7, $0xb8;
	[tilespmem:$0x8800] =	vst v63  }
0x35: {  	_ = 	snop  }
0x36: {  	[tilespmem:s22], [sflag:$0x1] =	stream.indirect.gather [hbm4b:s6+s7], $0x10, s21, s7, $0xb8;
	[tilespmem:$0x8800] =	vst v63  }
0x37: {  	_ = 	snop  }
0x38: {  	[tilespmem:s24], [sflag:$0x1] =	stream.indirect.gather [hbm4b:s6+s7], $0x10, s23, s7, $0xb8;
	[tilespmem:$0x8800] =	vst v63  }
0x39: {  	_ = 	snop  }
0x3a: {  	[tilespmem:s26], [sflag:$0x1] =	stream.indirect.gather [hbm4b:s6+s7], $0x10, s25, s7, $0xb8;
	[tilespmem:$0x8800] =	vst v63  }
0x3b: {  	_ = 	snop  }
0x3c: {  	[tilespmem:s29], [sflag:$0x1] =	stream.indirect.gather [hbm4b:s6+s7], $0x10, s28, s7, $0xb8;
	[tilespmem:$0x8800] =	vst v63  }
0x3d: {  	_ = 	snop  }
0x3e: {  	[tilespmem:s31], [sflag:$0x1] =	stream.indirect.gather [hbm4b:s6+s7], $0x10, s30, s7, $0xb8;
	[tilespmem:$0x8800] =	vst v63  }
0x3f: {  	_ =	swait.ge [sflag:s5], $0x800  }
0x40: {  	[sflag:s5] =	ssyncset.done $0x0  }
0x41: {  	[sflag:s5] =	ssyncadd.s32 $0xFFFFF800  }
0x42: {  	_ =	swait.ge [sflag:s5], $0x800  }
0x43: {  	[sflag:s5] =	ssyncset.done $0x0  }
0x44: {  	[sflag:s5] =	ssyncadd.s32 $0xFFFFF800  }
0x45: {  	_ =	swait.ge [sflag:s5], $0x800  }
0x46: {  	[sflag:s5] =	ssyncset.done $0x0  }
0x47: {  	[sflag:s5] =	ssyncadd.s32 $0xFFFFF800  }
0x48: {  	_ =	swait.ge [sflag:s5], $0x800  }
0x49: {  	[sflag:s5] =	ssyncset.done $0x0  }
0x4a: {  	[sflag:s5] =	ssyncadd.s32 $0xFFFFF800  }
0x4b: {  	_ =	swait.ge [sflag:s5], $0x800  }
0x4c: {  	[sflag:s5] =	ssyncset.done $0x0  }
0x4d: {  	[sflag:s5] =	ssyncadd.s32 $0xFFFFF800  }
0x4e: {  	_ =	swait.ge [sflag:s5], $0x800  }
0x4f: {  	[sflag:s5] =	ssyncset.done $0x0  }
0x50: {  	[sflag:s5] =	ssyncadd.s32 $0xFFFFF800  }
0x51: {  	_ =	swait.ge [sflag:s5], $0x800  }
0x52: {  	[sflag:s5] =	ssyncset.done $0x0  }
0x53: {  	[sflag:s5] =	ssyncadd.s32 $0xFFFFF800  }
0x54: {  	_ =	swait.ge [sflag:s5], $0x800  }
0x55: {  	[sflag:s5] =	ssyncset.done $0x0  }
0x56: {  	[sflag:s5] =	ssyncadd.s32 $0xFFFFF800  }
0x57: {  	_ =	swait.ge [sflag:s5], $0x800  }
0x58: {  	[sflag:s5] =	ssyncset.done $0x0  }
0x59: {  	[sflag:s5] =	ssyncadd.s32 $0xFFFFF800  }
0x5a: {  	_ =	swait.ge [sflag:s5], $0x800  }
0x5b: {  	[sflag:s5] =	ssyncset.done $0x0  }
0x5c: {  	[sflag:s5] =	ssyncadd.s32 $0xFFFFF800  }
0x5d: {  	_ =	swait.ge [sflag:s5], $0x800  }
0x5e: {  	[sflag:s5] =	ssyncset.done $0x0  }
0x5f: {  	[sflag:s5] =	ssyncadd.s32 $0xFFFFF800  }
0x60: {  	_ =	swait.ge [sflag:s5], $0x800  }
0x61: {  	[sflag:s5] =	ssyncset.done $0x0  }
0x62: {  	[sflag:s5] =	ssyncadd.s32 $0xFFFFF800  }
0x63: {  	_ =	swait.ge [sflag:s5], $0x800  }
0x64: {  	[sflag:s5] =	ssyncset.done $0x0  }
0x65: {  	[sflag:s5] =	ssyncadd.s32 $0xFFFFF800  }
0x66: {  	_ =	swait.ge [sflag:s5], $0x800  }
0x67: {  	[sflag:s5] =	ssyncset.done $0x0  }
0x68: {  	[sflag:s5] =	ssyncadd.s32 $0xFFFFF800  }
0x69: {  	_ =	swait.ge [sflag:s5], $0x800  }
0x6a: {  	p1 =	sne.s32 s8, $0x1;
	[sflag:s5] =	ssyncset.done $0x0  }
.Ltmp1:
0x6b: {  	[sflag:s5] =	ssyncadd.s32 $0xFFFFF800;
	(pc) =	sbr.rel @!p1 .LBB2_3-.Ltmp1, $4  }
0x6c: {  	_ =	swait.ge [sflag:s5], $0x800  }
0x6d: {  	p0 =	por $0x1, $0x1;
	[sflag:s5] =	ssyncset.done $0x0  }
0x6e: {  	s1 =	sadd.s32 $0xFFFFFFFF, s8;
	s10 =	rddreg [dreg:$0x4];
	[sflag:s5] =	ssyncadd.s32 $0xFFFFF800  }
0x6f: {  	[hbm4b:s10+s2] =	stream.linear.scatter [tilespmem:s4], [sflag:$0x2], $0x8000, $0x38;
	[tilespmem:$0x8800] =	vst v63  }
.LBB2_2:
0x70: {  	_ =	swait.ge [sflag:s3], $0x8000  }
0x71: {  	[sflag:s3] =	ssyncset.done $0x0  }
0x72: {  	s0 =	rddreg [dreg:$0x3];
	[sflag:s3] =	ssyncadd.s32 $0xFFFF8000  }
0x73: {  	[tilespmem:s2], [sflag:$0x2] =	stream.linear.gather [hbm4b:s0+s2], $0x800, $0x38;
	[tilespmem:$0x8800] =	vst v63  }
0x74: {  	_ =	swait.ge [sflag:s3], $0x800  }
0x75: {  	s0 =	rddreg [dreg:$0x6];
	[sflag:s3] =	ssyncset.done $0x0  }
0x76: {  	s8 =	rddreg [dreg:$0x5];
	[sflag:s3] =	ssyncadd.s32 $0xFFFFF800  }
0x77: {  	[tilespmem:s4], [sflag:$0x1] =	stream.indirect.gather [hbm4b:s6+s7], $0x10, s2, s7, $0xb8;
	[tilespmem:$0x8800] =	vst v63  }
0x78: {  	s9 =	rddreg [dreg:$0x7]  }
0x79: {  	[tilespmem:s8], [sflag:$0x1] =	stream.indirect.gather [hbm4b:s6+s7], $0x10, s7, s7, $0xb8;
	[tilespmem:$0x8800] =	vst v63  }
0x7a: {  	s10 =	rddreg [dreg:$0x9]  }
0x7b: {  	[tilespmem:s9], [sflag:$0x1] =	stream.indirect.gather [hbm4b:s6+s7], $0x10, s0, s7, $0xb8;
	[tilespmem:$0x8800] =	vst v63  }
0x7c: {  	s8 =	rddreg [dreg:$0x8]  }
0x7d: {  	[tilespmem:s10], [sflag:$0x1] =	stream.indirect.gather [hbm4b:s6+s7], $0x10, s8, s7, $0xb8;
	[tilespmem:$0x8800] =	vst v63  }
0x7e: {  	s0 =	rddreg [dreg:$0xa];
	s8 =	simm.s32 $0x2800  }
0x7f: {  	[tilespmem:s8], [sflag:$0x1] =	stream.indirect.gather [hbm4b:s6+s7], $0x10, s0, s7, $0xb8;
	[tilespmem:$0x8800] =	vst v63  }
0x80: {  	s9 =	simm.s32 $0x280;
	s10 =	simm.s32 $0x3000  }
0x81: {  	[tilespmem:s10], [sflag:$0x1] =	stream.indirect.gather [hbm4b:s6+s7], $0x10, s9, s7, $0xb8;
	[tilespmem:$0x8800] =	vst v63  }
0x82: {  	_ = 	snop  }
0x83: {  	[tilespmem:s12], [sflag:$0x1] =	stream.indirect.gather [hbm4b:s6+s7], $0x10, s11, s7, $0xb8;
	[tilespmem:$0x8800] =	vst v63  }
0x84: {  	_ = 	snop  }
0x85: {  	[tilespmem:s14], [sflag:$0x1] =	stream.indirect.gather [hbm4b:s6+s7], $0x10, s13, s7, $0xb8;
	[tilespmem:$0x8800] =	vst v63  }
0x86: {  	_ = 	snop  }
0x87: {  	[tilespmem:s16], [sflag:$0x1] =	stream.indirect.gather [hbm4b:s6+s7], $0x10, s15, s7, $0xb8;
	[tilespmem:$0x8800] =	vst v63  }
0x88: {  	_ = 	snop  }
0x89: {  	[tilespmem:s18], [sflag:$0x1] =	stream.indirect.gather [hbm4b:s6+s7], $0x10, s17, s7, $0xb8;
	[tilespmem:$0x8800] =	vst v63  }
0x8a: {  	_ = 	snop  }
0x8b: {  	[tilespmem:s20], [sflag:$0x1] =	stream.indirect.gather [hbm4b:s6+s7], $0x10, s19, s7, $0xb8;
	[tilespmem:$0x8800] =	vst v63  }
0x8c: {  	_ = 	snop  }
0x8d: {  	[tilespmem:s22], [sflag:$0x1] =	stream.indirect.gather [hbm4b:s6+s7], $0x10, s21, s7, $0xb8;
	[tilespmem:$0x8800] =	vst v63  }
0x8e: {  	_ = 	snop  }
0x8f: {  	[tilespmem:s24], [sflag:$0x1] =	stream.indirect.gather [hbm4b:s6+s7], $0x10, s23, s7, $0xb8;
	[tilespmem:$0x8800] =	vst v63  }
0x90: {  	_ = 	snop  }
0x91: {  	[tilespmem:s26], [sflag:$0x1] =	stream.indirect.gather [hbm4b:s6+s7], $0x10, s25, s7, $0xb8;
	[tilespmem:$0x8800] =	vst v63  }
0x92: {  	_ = 	snop  }
0x93: {  	[tilespmem:s29], [sflag:$0x1] =	stream.indirect.gather [hbm4b:s6+s7], $0x10, s28, s7, $0xb8;
	[tilespmem:$0x8800] =	vst v63  }
0x94: {  	_ = 	snop  }
0x95: {  	[tilespmem:s31], [sflag:$0x1] =	stream.indirect.gather [hbm4b:s6+s7], $0x10, s30, s7, $0xb8;
	[tilespmem:$0x8800] =	vst v63  }
0x96: {  	_ =	swait.ge [sflag:s5], $0x800  }
0x97: {  	[sflag:s5] =	ssyncset.done $0x0  }
0x98: {  	[sflag:s5] =	ssyncadd.s32 $0xFFFFF800  }
0x99: {  	_ =	swait.ge [sflag:s5], $0x800  }
0x9a: {  	[sflag:s5] =	ssyncset.done $0x0  }
0x9b: {  	[sflag:s5] =	ssyncadd.s32 $0xFFFFF800  }
0x9c: {  	_ =	swait.ge [sflag:s5], $0x800  }
0x9d: {  	[sflag:s5] =	ssyncset.done $0x0  }
0x9e: {  	[sflag:s5] =	ssyncadd.s32 $0xFFFFF800  }
0x9f: {  	_ =	swait.ge [sflag:s5], $0x800  }
0xa0: {  	[sflag:s5] =	ssyncset.done $0x0  }
0xa1: {  	[sflag:s5] =	ssyncadd.s32 $0xFFFFF800  }
0xa2: {  	_ =	swait.ge [sflag:s5], $0x800  }
0xa3: {  	[sflag:s5] =	ssyncset.done $0x0  }
0xa4: {  	[sflag:s5] =	ssyncadd.s32 $0xFFFFF800  }
0xa5: {  	_ =	swait.ge [sflag:s5], $0x800  }
0xa6: {  	[sflag:s5] =	ssyncset.done $0x0  }
0xa7: {  	[sflag:s5] =	ssyncadd.s32 $0xFFFFF800  }
0xa8: {  	_ =	swait.ge [sflag:s5], $0x800  }
0xa9: {  	[sflag:s5] =	ssyncset.done $0x0  }
0xaa: {  	[sflag:s5] =	ssyncadd.s32 $0xFFFFF800  }
0xab: {  	_ =	swait.ge [sflag:s5], $0x800  }
0xac: {  	[sflag:s5] =	ssyncset.done $0x0  }
0xad: {  	[sflag:s5] =	ssyncadd.s32 $0xFFFFF800  }
0xae: {  	_ =	swait.ge [sflag:s5], $0x800  }
0xaf: {  	[sflag:s5] =	ssyncset.done $0x0  }
0xb0: {  	[sflag:s5] =	ssyncadd.s32 $0xFFFFF800  }
0xb1: {  	_ =	swait.ge [sflag:s5], $0x800  }
0xb2: {  	[sflag:s5] =	ssyncset.done $0x0  }
0xb3: {  	[sflag:s5] =	ssyncadd.s32 $0xFFFFF800  }
0xb4: {  	_ =	swait.ge [sflag:s5], $0x800  }
0xb5: {  	[sflag:s5] =	ssyncset.done $0x0  }
0xb6: {  	[sflag:s5] =	ssyncadd.s32 $0xFFFFF800  }
0xb7: {  	_ =	swait.ge [sflag:s5], $0x800  }
0xb8: {  	[sflag:s5] =	ssyncset.done $0x0  }
0xb9: {  	[sflag:s5] =	ssyncadd.s32 $0xFFFFF800  }
0xba: {  	_ =	swait.ge [sflag:s5], $0x800  }
0xbb: {  	[sflag:s5] =	ssyncset.done $0x0  }
0xbc: {  	[sflag:s5] =	ssyncadd.s32 $0xFFFFF800  }
0xbd: {  	_ =	swait.ge [sflag:s5], $0x800  }
0xbe: {  	[sflag:s5] =	ssyncset.done $0x0  }
0xbf: {  	[sflag:s5] =	ssyncadd.s32 $0xFFFFF800  }
0xc0: {  	_ =	swait.ge [sflag:s5], $0x800  }
0xc1: {  	p1 =	sne.s32 s1, $0x1;
	[sflag:s5] =	ssyncset.done $0x0  }
.Ltmp2:
0xc2: {  	[sflag:s5] =	ssyncadd.s32 $0xFFFFF800;
	(pc) =	sbr.rel @p1 .LBB2_2-.Ltmp2, $4  }
0xc3: {  	_ =	swait.ge [sflag:s5], $0x800  }
0xc4: {  	[sflag:s5] =	ssyncset.done $0x0  }
0xc5: {  	s1 =	sadd.s32 $0xFFFFFFFF, s1;
	s10 =	rddreg [dreg:$0x4];
	[sflag:s5] =	ssyncadd.s32 $0xFFFFF800  }
0xc6: {  	[hbm4b:s10+s2] =	stream.linear.scatter [tilespmem:s4], [sflag:$0x2], $0x8000, $0x38;
	[tilespmem:$0x8800] =	vst v63  }
.LBB2_3:
0xc7: {  	_ =	swait.ge @p0 [sflag:s3], $0x8000  }
0xc8: {  	[sflag:s3] =	ssyncset.done @p0 $0x0  }
0xc9: {  	s0 =	rddreg [dreg:$0x3];
	[sflag:s3] =	ssyncadd.s32 @p0 $0xFFFF8000  }
0xca: {  	[tilespmem:s2], [sflag:$0x2] =	stream.linear.gather [hbm4b:s0+s2], $0x800, $0x38;
	[tilespmem:$0x8800] =	vst v63  }
0xcb: {  	_ =	swait.ge [sflag:s3], $0x800  }
0xcc: {  	[sflag:s3] =	ssyncset.done $0x0;
	s10 =	rddreg [dreg:$0x5]  }
0xcd: {  	s0 =	rddreg [dreg:$0x6];
	[sflag:s3] =	ssyncadd.s32 $0xFFFFF800  }
0xce: {  	[tilespmem:s4], [sflag:$0x1] =	stream.indirect.gather [hbm4b:s6+s7], $0x10, s2, s7, $0xb8;
	[tilespmem:$0x8800] =	vst v63  }
0xcf: {  	s1 =	rddreg [dreg:$0x7]  }
0xd0: {  	[tilespmem:s10], [sflag:$0x1] =	stream.indirect.gather [hbm4b:s6+s7], $0x10, s7, s7, $0xb8;
	[tilespmem:$0x8800] =	vst v63  }
0xd1: {  	s8 =	rddreg [dreg:$0x9]  }
0xd2: {  	[tilespmem:s1], [sflag:$0x1] =	stream.indirect.gather [hbm4b:s6+s7], $0x10, s0, s7, $0xb8;
	[tilespmem:$0x8800] =	vst v63  }
0xd3: {  	s9 =	rddreg [dreg:$0x8]  }
0xd4: {  	[tilespmem:s8], [sflag:$0x1] =	stream.indirect.gather [hbm4b:s6+s7], $0x10, s9, s7, $0xb8;
	[tilespmem:$0x8800] =	vst v63  }
0xd5: {  	s10 =	simm.s32 $0x2800;
	s1 =	rddreg [dreg:$0xa]  }
0xd6: {  	[tilespmem:s10], [sflag:$0x1] =	stream.indirect.gather [hbm4b:s6+s7], $0x10, s1, s7, $0xb8;
	[tilespmem:$0x8800] =	vst v63  }
0xd7: {  	s9 =	simm.s32 $0x3000;
	s10 =	simm.s32 $0x280  }
0xd8: {  	[tilespmem:s9], [sflag:$0x1] =	stream.indirect.gather [hbm4b:s6+s7], $0x10, s10, s7, $0xb8;
	[tilespmem:$0x8800] =	vst v63  }
0xd9: {  	_ = 	snop  }
0xda: {  	[tilespmem:s12], [sflag:$0x1] =	stream.indirect.gather [hbm4b:s6+s7], $0x10, s11, s7, $0xb8;
	[tilespmem:$0x8800] =	vst v63  }
0xdb: {  	_ = 	snop  }
0xdc: {  	[tilespmem:s14], [sflag:$0x1] =	stream.indirect.gather [hbm4b:s6+s7], $0x10, s13, s7, $0xb8;
	[tilespmem:$0x8800] =	vst v63  }
0xdd: {  	_ = 	snop  }
0xde: {  	[tilespmem:s16], [sflag:$0x1] =	stream.indirect.gather [hbm4b:s6+s7], $0x10, s15, s7, $0xb8;
	[tilespmem:$0x8800] =	vst v63  }
0xdf: {  	_ = 	snop  }
0xe0: {  	[tilespmem:s18], [sflag:$0x1] =	stream.indirect.gather [hbm4b:s6+s7], $0x10, s17, s7, $0xb8;
	[tilespmem:$0x8800] =	vst v63  }
0xe1: {  	_ = 	snop  }
0xe2: {  	[tilespmem:s20], [sflag:$0x1] =	stream.indirect.gather [hbm4b:s6+s7], $0x10, s19, s7, $0xb8;
	[tilespmem:$0x8800] =	vst v63  }
0xe3: {  	_ = 	snop  }
0xe4: {  	[tilespmem:s22], [sflag:$0x1] =	stream.indirect.gather [hbm4b:s6+s7], $0x10, s21, s7, $0xb8;
	[tilespmem:$0x8800] =	vst v63  }
0xe5: {  	_ = 	snop  }
0xe6: {  	[tilespmem:s24], [sflag:$0x1] =	stream.indirect.gather [hbm4b:s6+s7], $0x10, s23, s7, $0xb8;
	[tilespmem:$0x8800] =	vst v63  }
0xe7: {  	_ = 	snop  }
0xe8: {  	[tilespmem:s26], [sflag:$0x1] =	stream.indirect.gather [hbm4b:s6+s7], $0x10, s25, s7, $0xb8;
	[tilespmem:$0x8800] =	vst v63  }
0xe9: {  	_ = 	snop  }
0xea: {  	[tilespmem:s29], [sflag:$0x1] =	stream.indirect.gather [hbm4b:s6+s7], $0x10, s28, s7, $0xb8;
	[tilespmem:$0x8800] =	vst v63  }
0xeb: {  	_ = 	snop  }
0xec: {  	[tilespmem:s31], [sflag:$0x1] =	stream.indirect.gather [hbm4b:s6+s7], $0x10, s30, s7, $0xb8;
	[tilespmem:$0x8800] =	vst v63  }
0xed: {  	_ =	swait.ge [sflag:s5], $0x800  }
0xee: {  	[sflag:s5] =	ssyncset.done $0x0  }
0xef: {  	[sflag:s5] =	ssyncadd.s32 $0xFFFFF800  }
0xf0: {  	_ =	swait.ge [sflag:s5], $0x800  }
0xf1: {  	[sflag:s5] =	ssyncset.done $0x0  }
0xf2: {  	[sflag:s5] =	ssyncadd.s32 $0xFFFFF800  }
0xf3: {  	_ =	swait.ge [sflag:s5], $0x800  }
0xf4: {  	[sflag:s5] =	ssyncset.done $0x0  }
0xf5: {  	[sflag:s5] =	ssyncadd.s32 $0xFFFFF800  }
0xf6: {  	_ =	swait.ge [sflag:s5], $0x800  }
0xf7: {  	[sflag:s5] =	ssyncset.done $0x0  }
0xf8: {  	[sflag:s5] =	ssyncadd.s32 $0xFFFFF800  }
0xf9: {  	_ =	swait.ge [sflag:s5], $0x800  }
0xfa: {  	[sflag:s5] =	ssyncset.done $0x0  }
0xfb: {  	[sflag:s5] =	ssyncadd.s32 $0xFFFFF800  }
0xfc: {  	_ =	swait.ge [sflag:s5], $0x800  }
0xfd: {  	[sflag:s5] =	ssyncset.done $0x0  }
0xfe: {  	[sflag:s5] =	ssyncadd.s32 $0xFFFFF800  }
0xff: {  	_ =	swait.ge [sflag:s5], $0x800  }
0x100: {  	[sflag:s5] =	ssyncset.done $0x0  }
0x101: {  	[sflag:s5] =	ssyncadd.s32 $0xFFFFF800  }
0x102: {  	_ =	swait.ge [sflag:s5], $0x800  }
0x103: {  	[sflag:s5] =	ssyncset.done $0x0  }
0x104: {  	[sflag:s5] =	ssyncadd.s32 $0xFFFFF800  }
0x105: {  	_ =	swait.ge [sflag:s5], $0x800  }
0x106: {  	[sflag:s5] =	ssyncset.done $0x0  }
0x107: {  	[sflag:s5] =	ssyncadd.s32 $0xFFFFF800  }
0x108: {  	_ =	swait.ge [sflag:s5], $0x800  }
0x109: {  	[sflag:s5] =	ssyncset.done $0x0  }
0x10a: {  	[sflag:s5] =	ssyncadd.s32 $0xFFFFF800  }
0x10b: {  	_ =	swait.ge [sflag:s5], $0x800  }
0x10c: {  	[sflag:s5] =	ssyncset.done $0x0  }
0x10d: {  	[sflag:s5] =	ssyncadd.s32 $0xFFFFF800  }
0x10e: {  	_ =	swait.ge [sflag:s5], $0x800  }
0x10f: {  	[sflag:s5] =	ssyncset.done $0x0  }
0x110: {  	[sflag:s5] =	ssyncadd.s32 $0xFFFFF800  }
0x111: {  	_ =	swait.ge [sflag:s5], $0x800  }
0x112: {  	[sflag:s5] =	ssyncset.done $0x0  }
0x113: {  	[sflag:s5] =	ssyncadd.s32 $0xFFFFF800  }
0x114: {  	_ =	swait.ge [sflag:s5], $0x800  }
0x115: {  	[sflag:s5] =	ssyncset.done $0x0  }
0x116: {  	[sflag:s5] =	ssyncadd.s32 $0xFFFFF800  }
0x117: {  	_ =	swait.ge [sflag:s5], $0x800  }
0x118: {  	[sflag:s5] =	ssyncset.done $0x0  }
0x119: {  	[sflag:s5] =	ssyncadd.s32 $0xFFFFF800  }
0x11a: {  	_ =	swait.ge [sflag:s5], $0x800  }
0x11b: {  	[sflag:s5] =	ssyncset.done $0x0  }
0x11c: {  	s30 =	rddreg [dreg:$0x4];
	[sflag:s5] =	ssyncadd.s32 $0xFFFFF800  }
0x11d: {  	[hbm4b:s30+s2] =	stream.linear.scatter [tilespmem:s4], [sflag:$0x2], $0x8000, $0x38;
	[tilespmem:$0x8800] =	vst v63  }
0x11e: {  	_ =	swait.ge [sflag:s3], $0x8000  }
0x11f: {  	[sflag:s3] =	ssyncset.done $0x0  }
0x120: {  	[sflag:s3] =	ssyncadd.s32 $0xFFFF8000  }
0x121: {  	_ =	sfence.sel $0x180000  }
0x122: {  	[bflag:$0x0] =	sbarrier.arrive $0xFFFF  }
0x123: {  	_ =	strace $0x90000047  }
0x124: {  	s31 =	stileid.u32;
	[bflag:$0x2] =	sbarrier.arrive $0xFFFF  }
0x125: {  	p0 =	sne.s32 s31, $0x0;
	s0 =	rddreg [dreg:$0x2]  }
0x126: {  	s0 =	sadd.s32 @!p0 $0x100000, s0  }
0x127: {  	[sflag:s0] =	ssyncadd.tile.s32 @!p0 $0x1;
	_ =	shalt  }
.Lfunc_end2:
_tile_overlayer_lowered:
.L_overlay_start_2:
0x128: {  	(tag) =	ssettag $0x2  }
0x129: {  	s0 =	rddreg [dreg:$0x0];
	s2 =	stileid.u32  }
0x12a: {  	s1 =	rddreg [dreg:$0x1];
	p0 =	sne.s32 s2, $0x0  }
0x12b: {  	s3 =	rddreg [dreg:$0x2];
	[bflag:$0x3] =	sbarrier.arrive $0xFFFF;
	s2 =	simm.s32 @!p0 $0x1C02  }
0x12c: {  	[timem:s3], [sflag:s2] =	dma.local @!p0 [hbm:s0], s1  }
0x12d: {  	s0 =	simm.s32 @!p0 $0x2  }
0x12e: {  	_ =	swait.ge @!p0 [sflag:s0], s1  }
0x12f: {  	s1 =	ssub.s32 @!p0 $0x0, s1;
	[sflag:s0] =	ssyncset.done @!p0 $0x0  }
0x130: {  	[sflag:s0] =	ssyncadd.s32 @!p0 s1  }
0x131: {  	[bflag:$0x3] =	sbarrier.arrive $0xFFFF  }
0x132: {  	_ =	shalt  }

</sc_bundles>
